<compile_context>
chip_gen: v7x
topology: tpu7x:2x2x1
jax: 0.10.2.dev20260603
libtpu: 0.0.44.dev20260713+nightly
codegen_flags: <defaults>
</compile_context>

<pallas_src>
import functools

import jax
import jax.numpy as jnp
from jax import lax
from jax.experimental import pallas as pl
from jax.experimental.pallas import tpu as pltpu
from jax.experimental.pallas import tpu_sc as plsc

_B = 4096
_N = 2048
_BB = 256
_F32_MIN = float(jnp.finfo(jnp.float32).min)

_NC = 2
_NS = 16
_L = 16
_NW = _NC * _NS
_ROWS_PER_TILE = _B // _NW
_GROUPS = _ROWS_PER_TILE // _L


def _tc_body(w1_ref, b1_ref, w2_ref, b2_ref, s_ref, idx_ref, lp_ref):
    bf = jnp.bfloat16
    f = [s_ref[k] for k in range(5)]
    g = [x.astype(bf).astype(jnp.float32) for x in f]
    emb = jnp.full(f[0].shape, b2_ref[0], dtype=jnp.float32)
    for j in range(16):
        a = b1_ref[j]
        for k in range(5):
            w = w1_ref[j, k].astype(bf).astype(jnp.float32)
            a = a + g[k] * w
        h = jnp.maximum(a, 0.0).astype(bf).astype(jnp.float32)
        w2 = w2_ref[0, j].astype(bf).astype(jnp.float32)
        emb = emb + h * w2
    tw = jnp.sum(f[1] * f[0], axis=1, keepdims=True)
    oversized = (f[1] > (f[3] - tw)) & (f[0] == 0.0)
    logits = emb + jnp.where(oversized, _F32_MIN, 0.0)
    m = jnp.max(logits, axis=1, keepdims=True)
    ssum = jnp.sum(jnp.exp(logits - m), axis=1)
    idx_ref[...] = jnp.argmax(logits, axis=1).astype(jnp.int32)
    lp_ref[...] = -jnp.log(ssum)


def _run_tc(sp, W1, b1, W2, b2, interpret=False):
    smem = pl.BlockSpec(memory_space=pltpu.SMEM)
    return pl.pallas_call(
        _tc_body,
        grid=(_B // _BB,),
        in_specs=[
            smem, smem, smem, smem,
            pl.BlockSpec((5, _BB, _N), lambda i: (0, i, 0)),
        ],
        out_specs=[
            pl.BlockSpec((_BB,), lambda i: (i,)),
            pl.BlockSpec((_BB,), lambda i: (i,)),
        ],
        out_shape=[
            jax.ShapeDtypeStruct((_B,), jnp.int32),
            jax.ShapeDtypeStruct((_B,), jnp.float32),
        ],
        compiler_params=pltpu.CompilerParams(
            allow_input_fusion=[False, False, False, False, True]),
        interpret=interpret,
    )(W1, b1, W2, b2, sp)


def _sc_onehot_body(idx_hbm, out_hbm, idx_v, buf_v, sem):
    wid = lax.axis_index("s") * _NC + lax.axis_index("c")
    base = wid * _ROWS_PER_TILE
    pltpu.sync_copy(idx_hbm.at[pl.ds(base, _ROWS_PER_TILE)], idx_v)
    zeros = jnp.zeros((_L,), jnp.int32)

    def _zbody(c, carry):
        buf_v[pl.ds(c * _L, _L)] = zeros
        return carry

    lax.fori_loop(0, _L * _N // _L, _zbody, 0)
    flatrow = lax.iota(jnp.int32, _L) * _N
    ones = jnp.full((_L,), 1, jnp.int32)
    for grp in range(_GROUPS):
        flatidx = flatrow + idx_v[pl.ds(grp * _L, _L)]
        plsc.store_scatter(buf_v, [flatidx], ones)
        pltpu.sync_copy(
            buf_v, out_hbm.at[pl.ds((base + grp * _L) * _N, _L * _N)])
        plsc.store_scatter(buf_v, [flatidx], zeros)


@functools.partial(
    pl.kernel,
    out_type=jax.ShapeDtypeStruct((_B * _N,), jnp.int32),
    mesh=plsc.VectorSubcoreMesh(core_axis_name="c", subcore_axis_name="s"),
    compiler_params=pltpu.CompilerParams(needs_layout_passes=False),
    scratch_types=[
        pltpu.VMEM((_ROWS_PER_TILE,), jnp.int32),
        pltpu.VMEM((_L * _N,), jnp.int32),
        pltpu.SemaphoreType.DMA,
    ],
)
def _sc_onehot(idx_hbm, out_hbm, idx_v, buf_v, sem):
    _sc_onehot_body(idx_hbm, out_hbm, idx_v, buf_v, sem)


def kernel(state, W1, b1, W2, b2):
    sp = jnp.moveaxis(state, -1, 0)
    idx, lp = _run_tc(sp, W1, b1, W2, b2)
    act = _sc_onehot(idx).reshape(_B, _N)
    return (act[..., None], lp)

# --- scband reference (transcript-rebuilt; emitter-appended) ---
"""Pipeline reference for scband-knapsack-actor-nsa-2619930050638 (READ-ONLY COPY).

The authoritative reference and input builder live on the scoring server;
editing this copy changes nothing except your own understanding.
"""

import jax, jax.numpy as jnp
import numpy as np

BATCH = 4096
PROBLEM_DIM = 2048
STATE_DIM = 5
EMBED_DIM = 16


def _xavier_uniform(key, shape):
    fan_out, fan_in = shape
    limit = float(np.sqrt(6.0 / (fan_in + fan_out)))
    return jax.random.uniform(key, shape, dtype=jnp.float32, minval=-limit, maxval=limit)


def setup_inputs(seed: int = 0) -> dict:
    key = jax.random.key(seed)
    k0, k1, k2 = jax.random.split(key, 3)
    state = jax.random.uniform(k0, (BATCH, PROBLEM_DIM, STATE_DIM), dtype=jnp.float32)
    # Learned params of nn.Sequential(Linear(5,16), ReLU, Linear(16,1)); torch Linear weight is [out,in]
    W1 = _xavier_uniform(k1, (EMBED_DIM, STATE_DIM))
    b1 = jnp.full((EMBED_DIM,), 0.01, dtype=jnp.float32)
    W2 = _xavier_uniform(k2, (1, EMBED_DIM))
    b2 = jnp.full((1,), 0.01, dtype=jnp.float32)
    return {"state": state, "W1": W1, "b1": b1, "W2": W2, "b2": b2}


def reference(state, W1, b1, W2, b2):
    # Faithful translation of KnapsackActorNSA.sample (greedy=True for determinism)
    x = state[..., 0]
    weights = state[..., 1]
    capacity = state[..., 3]
    total_weight = jnp.sum(weights * x, -1)
    # extend_to(total_weight, capacity): broadcast [B] -> [B, 1] against [B, N]
    free_space = capacity - total_weight[:, None]
    oversized = (weights > free_space) & (x == 0)
    mask = jnp.where(oversized, jnp.finfo(jnp.float32).min, 0.0)
    h = jax.nn.relu(state @ W1.T + b1)
    embed_out = (h @ W2.T + b2)[..., 0]
    logits = embed_out + mask
    probs = jax.nn.softmax(logits, axis=-1)
    smpl = jnp.argmax(probs, axis=-1)
    action = jax.nn.one_hot(smpl, PROBLEM_DIM, dtype=jnp.int32)
    log_probs = jnp.log(jnp.take_along_axis(probs, smpl[:, None], axis=-1)[:, 0])
    return (action[..., None], log_probs)

if __name__ == "__main__":
    import jax
    _d = setup_inputs()
    print(jax.jit(kernel)(*tuple(_d.values())))

</pallas_src>

<mosaic_0001>
#map = affine_map<(d0, d1) -> (0)>
module attributes {stable_mosaic.version = 14 : i64} {
  func.func @_sc_onehot(%arg0: i32, %arg1: i32, %arg2: memref<4096xi32, #tpu.memory_space<hbm>>, %arg3: memref<8388608xi32, #tpu.memory_space<hbm>>, %arg4: memref<128xi32, #tpu.memory_space<vmem>>, %arg5: memref<32768xi32, #tpu.memory_space<vmem>>, %arg6: memref<!tpu.dma_semaphore, #tpu.memory_space<semaphore_mem>>) attributes {dimension_semantics = [#tpu.dimension_semantics<core_parallel>, #tpu.dimension_semantics<subcore_parallel>], iteration_bounds = array<i64: 2, 16>, scalar_prefetch = 0 : i64, scratch_operands = 3 : i64, tpu.core_type = #tpu.core_type<sc_vector_subcore>, window_params = [{transform_indices = #map}, {transform_indices = #map}]} {
    %mul3A = arith.constant 2 : i32
    %mul3A_0 = arith.muli %arg1, %mul3A : i32
    %add3A = arith.addi %mul3A_0, %arg0 : i32
    %mul3A_1 = arith.constant 128 : i32
    %mul3A_2 = arith.muli %add3A, %mul3A_1 : i32
    "tpu.region"() ({
      %run_scoped3A = tpu.sem_alloc : memref<!tpu.dma_semaphore, #tpu.memory_space<semaphore_mem>>
      %dma_start3A = tpu.memref_slice %arg2[%mul3A_2] : memref<4096xi32, #tpu.memory_space<hbm>> -> memref<128xi32, #tpu.memory_space<hbm>>
      %dma_start3A_69 = tpu.memref_slice %arg2[%mul3A_2] : memref<4096xi32, #tpu.memory_space<hbm>> -> memref<128xi32, #tpu.memory_space<hbm>>
      tpu.enqueue_dma source(%dma_start3A_69 : memref<128xi32, #tpu.memory_space<hbm>>) target(%arg4 : memref<128xi32, #tpu.memory_space<vmem>>) target_semaphore(%run_scoped3A : memref<!tpu.dma_semaphore, #tpu.memory_space<semaphore_mem>>)
      %dma_wait3A = tpu.memref_slice %arg2[%mul3A_2] : memref<4096xi32, #tpu.memory_space<hbm>> -> memref<128xi32, #tpu.memory_space<hbm>>
      %dma_wait3A_70 = tpu.memref_slice %arg2[%mul3A_2] : memref<4096xi32, #tpu.memory_space<hbm>> -> memref<128xi32, #tpu.memory_space<hbm>>
      tpu.wait_dma2 semaphore(%run_scoped3A : memref<!tpu.dma_semaphore, #tpu.memory_space<semaphore_mem>>) src(%dma_wait3A_70 : memref<128xi32, #tpu.memory_space<hbm>>) dst(%arg4 : memref<128xi32, #tpu.memory_space<vmem>>)
      tpu.yield
    }) : () -> ()
    %broadcast_in_dim3A = arith.constant 0 : i32
    %broadcast_in_dim3A_3 = vector.broadcast %broadcast_in_dim3A : i32 to vector<16xi32>
    %scan3A = arith.constant 0 : i32
    %scan3A_4 = arith.constant 0 : i32
    %scan3A_5 = arith.constant 2048 : i32
    %scan3A_6 = arith.addi %scan3A_4, %scan3A_5 : i32
    %scan3A_7 = arith.constant 1 : i32
    scf.for %scan3A_69 = %scan3A_4 to %scan3A_6 step %scan3A_7  : i32 {
      %mul3A_70 = arith.constant 16 : i32
      %mul3A_71 = arith.muli %scan3A_69, %mul3A_70 : i32
      %swap3A = arith.index_cast %mul3A_71 : i32 to index
      %swap3A_72 = tpu.vector_load %arg5[%swap3A] {strides = array<i32>} : memref<32768xi32, #tpu.memory_space<vmem>>, vector<16xi32>,
      tpu.vector_store %arg5[%swap3A], %broadcast_in_dim3A_3 {strides = array<i32>} : memref<32768xi32, #tpu.memory_space<vmem>>, vector<16xi32>,
    }
    %scan3A_8 = arith.constant 2048 : i32
    %iota3A = tpu.iota {dimensions = array<i32: 0>} : vector<16xi32>
    %mul3A_9 = arith.constant 2048 : i32
    %mul3A_10 = vector.broadcast %mul3A_9 : i32 to vector<16xi32>
    %mul3A_11 = arith.muli %iota3A, %mul3A_10 : vector<16xi32>
    %broadcast_in_dim3A_12 = arith.constant 1 : i32
    %broadcast_in_dim3A_13 = vector.broadcast %broadcast_in_dim3A_12 : i32 to vector<16xi32>
    %get3A = arith.constant 0 : index
    %get3A_14 = tpu.vector_load %arg4[%get3A] {strides = array<i32>} : memref<128xi32, #tpu.memory_space<vmem>>, vector<16xi32>,
    %add3A_15 = arith.addi %mul3A_11, %get3A_14 : vector<16xi32>
    tpu.vector_store_idx %arg5[%add3A_15], %broadcast_in_dim3A_13 : memref<32768xi32, #tpu.memory_space<vmem>>[vector<16xi32>], vector<16xi32>,
    %add3A_16 = arith.constant 0 : i32
    %add3A_17 = arith.addi %mul3A_2, %add3A_16 : i32
    %mul3A_18 = arith.constant 2048 : i32
    %mul3A_19 = arith.muli %add3A_17, %mul3A_18 : i32
    "tpu.region"() ({
      %run_scoped3A = tpu.sem_alloc : memref<!tpu.dma_semaphore, #tpu.memory_space<semaphore_mem>>
      %dma_start3A = tpu.memref_slice %arg3[%mul3A_19] : memref<8388608xi32, #tpu.memory_space<hbm>> -> memref<32768xi32, #tpu.memory_space<hbm>>
      %dma_start3A_69 = tpu.memref_slice %arg3[%mul3A_19] : memref<8388608xi32, #tpu.memory_space<hbm>> -> memref<32768xi32, #tpu.memory_space<hbm>>
      tpu.enqueue_dma source(%arg5 : memref<32768xi32, #tpu.memory_space<vmem>>) target(%dma_start3A_69 : memref<32768xi32, #tpu.memory_space<hbm>>) target_semaphore(%run_scoped3A : memref<!tpu.dma_semaphore, #tpu.memory_space<semaphore_mem>>)
      %dma_wait3A = tpu.memref_slice %arg3[%mul3A_19] : memref<8388608xi32, #tpu.memory_space<hbm>> -> memref<32768xi32, #tpu.memory_space<hbm>>
      %dma_wait3A_70 = tpu.memref_slice %arg3[%mul3A_19] : memref<8388608xi32, #tpu.memory_space<hbm>> -> memref<32768xi32, #tpu.memory_space<hbm>>
      tpu.wait_dma2 semaphore(%run_scoped3A : memref<!tpu.dma_semaphore, #tpu.memory_space<semaphore_mem>>) src(%arg5 : memref<32768xi32, #tpu.memory_space<vmem>>) dst(%dma_wait3A_70 : memref<32768xi32, #tpu.memory_space<hbm>>)
      tpu.yield
    }) : () -> ()
    tpu.vector_store_idx %arg5[%add3A_15], %broadcast_in_dim3A_3 : memref<32768xi32, #tpu.memory_space<vmem>>[vector<16xi32>], vector<16xi32>,
    %get3A_20 = arith.constant 16 : index
    %get3A_21 = tpu.vector_load %arg4[%get3A_20] {strides = array<i32>} : memref<128xi32, #tpu.memory_space<vmem>>, vector<16xi32>,
    %add3A_22 = arith.addi %mul3A_11, %get3A_21 : vector<16xi32>
    tpu.vector_store_idx %arg5[%add3A_22], %broadcast_in_dim3A_13 : memref<32768xi32, #tpu.memory_space<vmem>>[vector<16xi32>], vector<16xi32>,
    %add3A_23 = arith.constant 16 : i32
    %add3A_24 = arith.addi %mul3A_2, %add3A_23 : i32
    %mul3A_25 = arith.constant 2048 : i32
    %mul3A_26 = arith.muli %add3A_24, %mul3A_25 : i32
    "tpu.region"() ({
      %run_scoped3A = tpu.sem_alloc : memref<!tpu.dma_semaphore, #tpu.memory_space<semaphore_mem>>
      %dma_start3A = tpu.memref_slice %arg3[%mul3A_26] : memref<8388608xi32, #tpu.memory_space<hbm>> -> memref<32768xi32, #tpu.memory_space<hbm>>
      %dma_start3A_69 = tpu.memref_slice %arg3[%mul3A_26] : memref<8388608xi32, #tpu.memory_space<hbm>> -> memref<32768xi32, #tpu.memory_space<hbm>>
      tpu.enqueue_dma source(%arg5 : memref<32768xi32, #tpu.memory_space<vmem>>) target(%dma_start3A_69 : memref<32768xi32, #tpu.memory_space<hbm>>) target_semaphore(%run_scoped3A : memref<!tpu.dma_semaphore, #tpu.memory_space<semaphore_mem>>)
      %dma_wait3A = tpu.memref_slice %arg3[%mul3A_26] : memref<8388608xi32, #tpu.memory_space<hbm>> -> memref<32768xi32, #tpu.memory_space<hbm>>
      %dma_wait3A_70 = tpu.memref_slice %arg3[%mul3A_26] : memref<8388608xi32, #tpu.memory_space<hbm>> -> memref<32768xi32, #tpu.memory_space<hbm>>
      tpu.wait_dma2 semaphore(%run_scoped3A : memref<!tpu.dma_semaphore, #tpu.memory_space<semaphore_mem>>) src(%arg5 : memref<32768xi32, #tpu.memory_space<vmem>>) dst(%dma_wait3A_70 : memref<32768xi32, #tpu.memory_space<hbm>>)
      tpu.yield
    }) : () -> ()
    tpu.vector_store_idx %arg5[%add3A_22], %broadcast_in_dim3A_3 : memref<32768xi32, #tpu.memory_space<vmem>>[vector<16xi32>], vector<16xi32>,
    %get3A_27 = arith.constant 32 : index
    %get3A_28 = tpu.vector_load %arg4[%get3A_27] {strides = array<i32>} : memref<128xi32, #tpu.memory_space<vmem>>, vector<16xi32>,
    %add3A_29 = arith.addi %mul3A_11, %get3A_28 : vector<16xi32>
    tpu.vector_store_idx %arg5[%add3A_29], %broadcast_in_dim3A_13 : memref<32768xi32, #tpu.memory_space<vmem>>[vector<16xi32>], vector<16xi32>,
    %add3A_30 = arith.constant 32 : i32
    %add3A_31 = arith.addi %mul3A_2, %add3A_30 : i32
    %mul3A_32 = arith.constant 2048 : i32
    %mul3A_33 = arith.muli %add3A_31, %mul3A_32 : i32
    "tpu.region"() ({
      %run_scoped3A = tpu.sem_alloc : memref<!tpu.dma_semaphore, #tpu.memory_space<semaphore_mem>>
      %dma_start3A = tpu.memref_slice %arg3[%mul3A_33] : memref<8388608xi32, #tpu.memory_space<hbm>> -> memref<32768xi32, #tpu.memory_space<hbm>>
      %dma_start3A_69 = tpu.memref_slice %arg3[%mul3A_33] : memref<8388608xi32, #tpu.memory_space<hbm>> -> memref<32768xi32, #tpu.memory_space<hbm>>
      tpu.enqueue_dma source(%arg5 : memref<32768xi32, #tpu.memory_space<vmem>>) target(%dma_start3A_69 : memref<32768xi32, #tpu.memory_space<hbm>>) target_semaphore(%run_scoped3A : memref<!tpu.dma_semaphore, #tpu.memory_space<semaphore_mem>>)
      %dma_wait3A = tpu.memref_slice %arg3[%mul3A_33] : memref<8388608xi32, #tpu.memory_space<hbm>> -> memref<32768xi32, #tpu.memory_space<hbm>>
      %dma_wait3A_70 = tpu.memref_slice %arg3[%mul3A_33] : memref<8388608xi32, #tpu.memory_space<hbm>> -> memref<32768xi32, #tpu.memory_space<hbm>>
      tpu.wait_dma2 semaphore(%run_scoped3A : memref<!tpu.dma_semaphore, #tpu.memory_space<semaphore_mem>>) src(%arg5 : memref<32768xi32, #tpu.memory_space<vmem>>) dst(%dma_wait3A_70 : memref<32768xi32, #tpu.memory_space<hbm>>)
      tpu.yield
    }) : () -> ()
    tpu.vector_store_idx %arg5[%add3A_29], %broadcast_in_dim3A_3 : memref<32768xi32, #tpu.memory_space<vmem>>[vector<16xi32>], vector<16xi32>,
    %get3A_34 = arith.constant 48 : index
    %get3A_35 = tpu.vector_load %arg4[%get3A_34] {strides = array<i32>} : memref<128xi32, #tpu.memory_space<vmem>>, vector<16xi32>,
    %add3A_36 = arith.addi %mul3A_11, %get3A_35 : vector<16xi32>
    tpu.vector_store_idx %arg5[%add3A_36], %broadcast_in_dim3A_13 : memref<32768xi32, #tpu.memory_space<vmem>>[vector<16xi32>], vector<16xi32>,
    %add3A_37 = arith.constant 48 : i32
    %add3A_38 = arith.addi %mul3A_2, %add3A_37 : i32
    %mul3A_39 = arith.constant 2048 : i32
    %mul3A_40 = arith.muli %add3A_38, %mul3A_39 : i32
    "tpu.region"() ({
      %run_scoped3A = tpu.sem_alloc : memref<!tpu.dma_semaphore, #tpu.memory_space<semaphore_mem>>
      %dma_start3A = tpu.memref_slice %arg3[%mul3A_40] : memref<8388608xi32, #tpu.memory_space<hbm>> -> memref<32768xi32, #tpu.memory_space<hbm>>
      %dma_start3A_69 = tpu.memref_slice %arg3[%mul3A_40] : memref<8388608xi32, #tpu.memory_space<hbm>> -> memref<32768xi32, #tpu.memory_space<hbm>>
      tpu.enqueue_dma source(%arg5 : memref<32768xi32, #tpu.memory_space<vmem>>) target(%dma_start3A_69 : memref<32768xi32, #tpu.memory_space<hbm>>) target_semaphore(%run_scoped3A : memref<!tpu.dma_semaphore, #tpu.memory_space<semaphore_mem>>)
      %dma_wait3A = tpu.memref_slice %arg3[%mul3A_40] : memref<8388608xi32, #tpu.memory_space<hbm>> -> memref<32768xi32, #tpu.memory_space<hbm>>
      %dma_wait3A_70 = tpu.memref_slice %arg3[%mul3A_40] : memref<8388608xi32, #tpu.memory_space<hbm>> -> memref<32768xi32, #tpu.memory_space<hbm>>
      tpu.wait_dma2 semaphore(%run_scoped3A : memref<!tpu.dma_semaphore, #tpu.memory_space<semaphore_mem>>) src(%arg5 : memref<32768xi32, #tpu.memory_space<vmem>>) dst(%dma_wait3A_70 : memref<32768xi32, #tpu.memory_space<hbm>>)
      tpu.yield
    }) : () -> ()
    tpu.vector_store_idx %arg5[%add3A_36], %broadcast_in_dim3A_3 : memref<32768xi32, #tpu.memory_space<vmem>>[vector<16xi32>], vector<16xi32>,
    %get3A_41 = arith.constant 64 : index
    %get3A_42 = tpu.vector_load %arg4[%get3A_41] {strides = array<i32>} : memref<128xi32, #tpu.memory_space<vmem>>, vector<16xi32>,
    %add3A_43 = arith.addi %mul3A_11, %get3A_42 : vector<16xi32>
    tpu.vector_store_idx %arg5[%add3A_43], %broadcast_in_dim3A_13 : memref<32768xi32, #tpu.memory_space<vmem>>[vector<16xi32>], vector<16xi32>,
    %add3A_44 = arith.constant 64 : i32
    %add3A_45 = arith.addi %mul3A_2, %add3A_44 : i32
    %mul3A_46 = arith.constant 2048 : i32
    %mul3A_47 = arith.muli %add3A_45, %mul3A_46 : i32
    "tpu.region"() ({
      %run_scoped3A = tpu.sem_alloc : memref<!tpu.dma_semaphore, #tpu.memory_space<semaphore_mem>>
      %dma_start3A = tpu.memref_slice %arg3[%mul3A_47] : memref<8388608xi32, #tpu.memory_space<hbm>> -> memref<32768xi32, #tpu.memory_space<hbm>>
      %dma_start3A_69 = tpu.memref_slice %arg3[%mul3A_47] : memref<8388608xi32, #tpu.memory_space<hbm>> -> memref<32768xi32, #tpu.memory_space<hbm>>
      tpu.enqueue_dma source(%arg5 : memref<32768xi32, #tpu.memory_space<vmem>>) target(%dma_start3A_69 : memref<32768xi32, #tpu.memory_space<hbm>>) target_semaphore(%run_scoped3A : memref<!tpu.dma_semaphore, #tpu.memory_space<semaphore_mem>>)
      %dma_wait3A = tpu.memref_slice %arg3[%mul3A_47] : memref<8388608xi32, #tpu.memory_space<hbm>> -> memref<32768xi32, #tpu.memory_space<hbm>>
      %dma_wait3A_70 = tpu.memref_slice %arg3[%mul3A_47] : memref<8388608xi32, #tpu.memory_space<hbm>> -> memref<32768xi32, #tpu.memory_space<hbm>>
      tpu.wait_dma2 semaphore(%run_scoped3A : memref<!tpu.dma_semaphore, #tpu.memory_space<semaphore_mem>>) src(%arg5 : memref<32768xi32, #tpu.memory_space<vmem>>) dst(%dma_wait3A_70 : memref<32768xi32, #tpu.memory_space<hbm>>)
      tpu.yield
    }) : () -> ()
    tpu.vector_store_idx %arg5[%add3A_43], %broadcast_in_dim3A_3 : memref<32768xi32, #tpu.memory_space<vmem>>[vector<16xi32>], vector<16xi32>,
    %get3A_48 = arith.constant 80 : index
    %get3A_49 = tpu.vector_load %arg4[%get3A_48] {strides = array<i32>} : memref<128xi32, #tpu.memory_space<vmem>>, vector<16xi32>,
    %add3A_50 = arith.addi %mul3A_11, %get3A_49 : vector<16xi32>
    tpu.vector_store_idx %arg5[%add3A_50], %broadcast_in_dim3A_13 : memref<32768xi32, #tpu.memory_space<vmem>>[vector<16xi32>], vector<16xi32>,
    %add3A_51 = arith.constant 80 : i32
    %add3A_52 = arith.addi %mul3A_2, %add3A_51 : i32
    %mul3A_53 = arith.constant 2048 : i32
    %mul3A_54 = arith.muli %add3A_52, %mul3A_53 : i32
    "tpu.region"() ({
      %run_scoped3A = tpu.sem_alloc : memref<!tpu.dma_semaphore, #tpu.memory_space<semaphore_mem>>
      %dma_start3A = tpu.memref_slice %arg3[%mul3A_54] : memref<8388608xi32, #tpu.memory_space<hbm>> -> memref<32768xi32, #tpu.memory_space<hbm>>
      %dma_start3A_69 = tpu.memref_slice %arg3[%mul3A_54] : memref<8388608xi32, #tpu.memory_space<hbm>> -> memref<32768xi32, #tpu.memory_space<hbm>>
      tpu.enqueue_dma source(%arg5 : memref<32768xi32, #tpu.memory_space<vmem>>) target(%dma_start3A_69 : memref<32768xi32, #tpu.memory_space<hbm>>) target_semaphore(%run_scoped3A : memref<!tpu.dma_semaphore, #tpu.memory_space<semaphore_mem>>)
      %dma_wait3A = tpu.memref_slice %arg3[%mul3A_54] : memref<8388608xi32, #tpu.memory_space<hbm>> -> memref<32768xi32, #tpu.memory_space<hbm>>
      %dma_wait3A_70 = tpu.memref_slice %arg3[%mul3A_54] : memref<8388608xi32, #tpu.memory_space<hbm>> -> memref<32768xi32, #tpu.memory_space<hbm>>
      tpu.wait_dma2 semaphore(%run_scoped3A : memref<!tpu.dma_semaphore, #tpu.memory_space<semaphore_mem>>) src(%arg5 : memref<32768xi32, #tpu.memory_space<vmem>>) dst(%dma_wait3A_70 : memref<32768xi32, #tpu.memory_space<hbm>>)
      tpu.yield
    }) : () -> ()
    tpu.vector_store_idx %arg5[%add3A_50], %broadcast_in_dim3A_3 : memref<32768xi32, #tpu.memory_space<vmem>>[vector<16xi32>], vector<16xi32>,
    %get3A_55 = arith.constant 96 : index
    %get3A_56 = tpu.vector_load %arg4[%get3A_55] {strides = array<i32>} : memref<128xi32, #tpu.memory_space<vmem>>, vector<16xi32>,
    %add3A_57 = arith.addi %mul3A_11, %get3A_56 : vector<16xi32>
    tpu.vector_store_idx %arg5[%add3A_57], %broadcast_in_dim3A_13 : memref<32768xi32, #tpu.memory_space<vmem>>[vector<16xi32>], vector<16xi32>,
    %add3A_58 = arith.constant 96 : i32
    %add3A_59 = arith.addi %mul3A_2, %add3A_58 : i32
    %mul3A_60 = arith.constant 2048 : i32
    %mul3A_61 = arith.muli %add3A_59, %mul3A_60 : i32
    "tpu.region"() ({
      %run_scoped3A = tpu.sem_alloc : memref<!tpu.dma_semaphore, #tpu.memory_space<semaphore_mem>>
      %dma_start3A = tpu.memref_slice %arg3[%mul3A_61] : memref<8388608xi32, #tpu.memory_space<hbm>> -> memref<32768xi32, #tpu.memory_space<hbm>>
      %dma_start3A_69 = tpu.memref_slice %arg3[%mul3A_61] : memref<8388608xi32, #tpu.memory_space<hbm>> -> memref<32768xi32, #tpu.memory_space<hbm>>
      tpu.enqueue_dma source(%arg5 : memref<32768xi32, #tpu.memory_space<vmem>>) target(%dma_start3A_69 : memref<32768xi32, #tpu.memory_space<hbm>>) target_semaphore(%run_scoped3A : memref<!tpu.dma_semaphore, #tpu.memory_space<semaphore_mem>>)
      %dma_wait3A = tpu.memref_slice %arg3[%mul3A_61] : memref<8388608xi32, #tpu.memory_space<hbm>> -> memref<32768xi32, #tpu.memory_space<hbm>>
      %dma_wait3A_70 = tpu.memref_slice %arg3[%mul3A_61] : memref<8388608xi32, #tpu.memory_space<hbm>> -> memref<32768xi32, #tpu.memory_space<hbm>>
      tpu.wait_dma2 semaphore(%run_scoped3A : memref<!tpu.dma_semaphore, #tpu.memory_space<semaphore_mem>>) src(%arg5 : memref<32768xi32, #tpu.memory_space<vmem>>) dst(%dma_wait3A_70 : memref<32768xi32, #tpu.memory_space<hbm>>)
      tpu.yield
    }) : () -> ()
    tpu.vector_store_idx %arg5[%add3A_57], %broadcast_in_dim3A_3 : memref<32768xi32, #tpu.memory_space<vmem>>[vector<16xi32>], vector<16xi32>,
    %get3A_62 = arith.constant 112 : index
    %get3A_63 = tpu.vector_load %arg4[%get3A_62] {strides = array<i32>} : memref<128xi32, #tpu.memory_space<vmem>>, vector<16xi32>,
    %add3A_64 = arith.addi %mul3A_11, %get3A_63 : vector<16xi32>
    tpu.vector_store_idx %arg5[%add3A_64], %broadcast_in_dim3A_13 : memref<32768xi32, #tpu.memory_space<vmem>>[vector<16xi32>], vector<16xi32>,
    %add3A_65 = arith.constant 112 : i32
    %add3A_66 = arith.addi %mul3A_2, %add3A_65 : i32
    %mul3A_67 = arith.constant 2048 : i32
    %mul3A_68 = arith.muli %add3A_66, %mul3A_67 : i32
    "tpu.region"() ({
      %run_scoped3A = tpu.sem_alloc : memref<!tpu.dma_semaphore, #tpu.memory_space<semaphore_mem>>
      %dma_start3A = tpu.memref_slice %arg3[%mul3A_68] : memref<8388608xi32, #tpu.memory_space<hbm>> -> memref<32768xi32, #tpu.memory_space<hbm>>
      %dma_start3A_69 = tpu.memref_slice %arg3[%mul3A_68] : memref<8388608xi32, #tpu.memory_space<hbm>> -> memref<32768xi32, #tpu.memory_space<hbm>>
      tpu.enqueue_dma source(%arg5 : memref<32768xi32, #tpu.memory_space<vmem>>) target(%dma_start3A_69 : memref<32768xi32, #tpu.memory_space<hbm>>) target_semaphore(%run_scoped3A : memref<!tpu.dma_semaphore, #tpu.memory_space<semaphore_mem>>)
      %dma_wait3A = tpu.memref_slice %arg3[%mul3A_68] : memref<8388608xi32, #tpu.memory_space<hbm>> -> memref<32768xi32, #tpu.memory_space<hbm>>
      %dma_wait3A_70 = tpu.memref_slice %arg3[%mul3A_68] : memref<8388608xi32, #tpu.memory_space<hbm>> -> memref<32768xi32, #tpu.memory_space<hbm>>
      tpu.wait_dma2 semaphore(%run_scoped3A : memref<!tpu.dma_semaphore, #tpu.memory_space<semaphore_mem>>) src(%arg5 : memref<32768xi32, #tpu.memory_space<vmem>>) dst(%dma_wait3A_70 : memref<32768xi32, #tpu.memory_space<hbm>>)
      tpu.yield
    }) : () -> ()
    tpu.vector_store_idx %arg5[%add3A_64], %broadcast_in_dim3A_3 : memref<32768xi32, #tpu.memory_space<vmem>>[vector<16xi32>], vector<16xi32>,
    return
  }
}

module attributes {stable_mosaic.version = 14 : i64} {
  func.func @_tc_body(%arg0: i32, %arg1: memref<16x5xf32, #tpu.memory_space<smem>>, %arg2: memref<16xf32, #tpu.memory_space<smem>>, %arg3: memref<1x16xf32, #tpu.memory_space<smem>>, %arg4: memref<1xf32, #tpu.memory_space<smem>>, %arg5: memref<5x256x2048xf32, #tpu.memory_space<vmem>>, %arg6: memref<256xi32, #tpu.memory_space<vmem>>, %arg7: memref<256xf32, #tpu.memory_space<vmem>>) attributes {dimension_semantics = [#tpu.dimension_semantics<arbitrary>], iteration_bounds = array<i64: 16>, scalar_prefetch = 0 : i64, scratch_operands = 0 : i64, tpu.core_type = #tpu.core_type<tc>, window_params = [{transform_indices = @transform_0, window_bounds = array<i64: 16, 5>}, {transform_indices = @transform_1, window_bounds = array<i64: 16>}, {transform_indices = @transform_2, window_bounds = array<i64: 1, 16>}, {transform_indices = @transform_3, window_bounds = array<i64: 1>}, {transform_indices = @transform_4, window_bounds = array<i64: 5, 256, 2048>}, {transform_indices = @transform_5, window_bounds = array<i64: 256>}, {transform_indices = @transform_6, window_bounds = array<i64: 256>}]} {
    %get3A = arith.constant 0 : index
    %get3A_0 = arith.constant 0 : index
    %get3A_1 = arith.constant 0 : index
    %get3A_2 = vector.load %arg5[%get3A, %get3A_0, %get3A_1] : memref<5x256x2048xf32, #tpu.memory_space<vmem>>, vector<1x256x2048xf32>
    %get3A_3 = vector.shape_cast %get3A_2 : vector<1x256x2048xf32> to vector<256x2048xf32>
    %get3A_4 = arith.constant 1 : index
    %get3A_5 = arith.constant 0 : index
    %get3A_6 = arith.constant 0 : index
    %get3A_7 = vector.load %arg5[%get3A_4, %get3A_5, %get3A_6] : memref<5x256x2048xf32, #tpu.memory_space<vmem>>, vector<1x256x2048xf32>
    %get3A_8 = vector.shape_cast %get3A_7 : vector<1x256x2048xf32> to vector<256x2048xf32>
    %get3A_9 = arith.constant 2 : index
    %get3A_10 = arith.constant 0 : index
    %get3A_11 = arith.constant 0 : index
    %get3A_12 = vector.load %arg5[%get3A_9, %get3A_10, %get3A_11] : memref<5x256x2048xf32, #tpu.memory_space<vmem>>, vector<1x256x2048xf32>
    %get3A_13 = vector.shape_cast %get3A_12 : vector<1x256x2048xf32> to vector<256x2048xf32>
    %get3A_14 = arith.constant 3 : index
    %get3A_15 = arith.constant 0 : index
    %get3A_16 = arith.constant 0 : index
    %get3A_17 = vector.load %arg5[%get3A_14, %get3A_15, %get3A_16] : memref<5x256x2048xf32, #tpu.memory_space<vmem>>, vector<1x256x2048xf32>
    %get3A_18 = vector.shape_cast %get3A_17 : vector<1x256x2048xf32> to vector<256x2048xf32>
    %get3A_19 = arith.constant 4 : index
    %get3A_20 = arith.constant 0 : index
    %get3A_21 = arith.constant 0 : index
    %get3A_22 = vector.load %arg5[%get3A_19, %get3A_20, %get3A_21] : memref<5x256x2048xf32, #tpu.memory_space<vmem>>, vector<1x256x2048xf32>
    %get3A_23 = vector.shape_cast %get3A_22 : vector<1x256x2048xf32> to vector<256x2048xf32>
    %convert_element_type3A = arith.truncf %get3A_3 : vector<256x2048xf32> to vector<256x2048xbf16>
    %convert_element_type3A_24 = arith.extf %convert_element_type3A : vector<256x2048xbf16> to vector<256x2048xf32>
    %convert_element_type3A_25 = arith.truncf %get3A_8 : vector<256x2048xf32> to vector<256x2048xbf16>
    %convert_element_type3A_26 = arith.extf %convert_element_type3A_25 : vector<256x2048xbf16> to vector<256x2048xf32>
    %convert_element_type3A_27 = arith.truncf %get3A_13 : vector<256x2048xf32> to vector<256x2048xbf16>
    %convert_element_type3A_28 = arith.extf %convert_element_type3A_27 : vector<256x2048xbf16> to vector<256x2048xf32>
    %convert_element_type3A_29 = arith.truncf %get3A_18 : vector<256x2048xf32> to vector<256x2048xbf16>
    %convert_element_type3A_30 = arith.extf %convert_element_type3A_29 : vector<256x2048xbf16> to vector<256x2048xf32>
    %convert_element_type3A_31 = arith.truncf %get3A_23 : vector<256x2048xf32> to vector<256x2048xbf16>
    %convert_element_type3A_32 = arith.extf %convert_element_type3A_31 : vector<256x2048xbf16> to vector<256x2048xf32>
    %get3A_33 = arith.constant 0 : index
    %get3A_34 = memref.load %arg4[%get3A_33] : memref<1xf32, #tpu.memory_space<smem>>
    %broadcast_in_dim3A = vector.broadcast %get3A_34 : f32 to vector<256x2048xf32>
    %get3A_35 = arith.constant 0 : index
    %get3A_36 = memref.load %arg2[%get3A_35] : memref<16xf32, #tpu.memory_space<smem>>
    %get3A_37 = arith.constant 0 : index
    %get3A_38 = arith.constant 0 : index
    %get3A_39 = memref.load %arg1[%get3A_37, %get3A_38] : memref<16x5xf32, #tpu.memory_space<smem>>
    %convert_element_type3A_40 = arith.truncf %get3A_39 : f32 to bf16
    %convert_element_type3A_41 = arith.extf %convert_element_type3A_40 : bf16 to f32
    %mul3A = vector.broadcast %convert_element_type3A_41 : f32 to vector<256x2048xf32>
    %mul3A_42 = arith.mulf %convert_element_type3A_24, %mul3A : vector<256x2048xf32>
    %add3A = vector.broadcast %get3A_36 : f32 to vector<256x2048xf32>
    %add3A_43 = arith.addf %add3A, %mul3A_42 : vector<256x2048xf32>
    %get3A_44 = arith.constant 0 : index
    %get3A_45 = arith.constant 1 : index
    %get3A_46 = memref.load %arg1[%get3A_44, %get3A_45] : memref<16x5xf32, #tpu.memory_space<smem>>
    %convert_element_type3A_47 = arith.truncf %get3A_46 : f32 to bf16
    %convert_element_type3A_48 = arith.extf %convert_element_type3A_47 : bf16 to f32
    %mul3A_49 = vector.broadcast %convert_element_type3A_48 : f32 to vector<256x2048xf32>
    %mul3A_50 = arith.mulf %convert_element_type3A_26, %mul3A_49 : vector<256x2048xf32>
    %add3A_51 = arith.addf %add3A_43, %mul3A_50 : vector<256x2048xf32>
    %get3A_52 = arith.constant 0 : index
    %get3A_53 = arith.constant 2 : index
    %get3A_54 = memref.load %arg1[%get3A_52, %get3A_53] : memref<16x5xf32, #tpu.memory_space<smem>>
    %convert_element_type3A_55 = arith.truncf %get3A_54 : f32 to bf16
    %convert_element_type3A_56 = arith.extf %convert_element_type3A_55 : bf16 to f32
    %mul3A_57 = vector.broadcast %convert_element_type3A_56 : f32 to vector<256x2048xf32>
    %mul3A_58 = arith.mulf %convert_element_type3A_28, %mul3A_57 : vector<256x2048xf32>
    %add3A_59 = arith.addf %add3A_51, %mul3A_58 : vector<256x2048xf32>
    %get3A_60 = arith.constant 0 : index
    %get3A_61 = arith.constant 3 : index
    %get3A_62 = memref.load %arg1[%get3A_60, %get3A_61] : memref<16x5xf32, #tpu.memory_space<smem>>
    %convert_element_type3A_63 = arith.truncf %get3A_62 : f32 to bf16
    %convert_element_type3A_64 = arith.extf %convert_element_type3A_63 : bf16 to f32
    %mul3A_65 = vector.broadcast %convert_element_type3A_64 : f32 to vector<256x2048xf32>
    %mul3A_66 = arith.mulf %convert_element_type3A_30, %mul3A_65 : vector<256x2048xf32>
    %add3A_67 = arith.addf %add3A_59, %mul3A_66 : vector<256x2048xf32>
    %get3A_68 = arith.constant 0 : index
    %get3A_69 = arith.constant 4 : index
    %get3A_70 = memref.load %arg1[%get3A_68, %get3A_69] : memref<16x5xf32, #tpu.memory_space<smem>>
    %convert_element_type3A_71 = arith.truncf %get3A_70 : f32 to bf16
    %convert_element_type3A_72 = arith.extf %convert_element_type3A_71 : bf16 to f32
    %mul3A_73 = vector.broadcast %convert_element_type3A_72 : f32 to vector<256x2048xf32>
    %mul3A_74 = arith.mulf %convert_element_type3A_32, %mul3A_73 : vector<256x2048xf32>
    %add3A_75 = arith.addf %add3A_67, %mul3A_74 : vector<256x2048xf32>
    %max3A = arith.constant 0.000000e+00 : f32
    %max3A_76 = vector.broadcast %max3A : f32 to vector<256x2048xf32>
    %max3A_77 = arith.maximumf %add3A_75, %max3A_76 : vector<256x2048xf32>
    %convert_element_type3A_78 = arith.truncf %max3A_77 : vector<256x2048xf32> to vector<256x2048xbf16>
    %convert_element_type3A_79 = arith.extf %convert_element_type3A_78 : vector<256x2048xbf16> to vector<256x2048xf32>
    %get3A_80 = arith.constant 0 : index
    %get3A_81 = arith.constant 0 : index
    %get3A_82 = memref.load %arg3[%get3A_80, %get3A_81] : memref<1x16xf32, #tpu.memory_space<smem>>
    %convert_element_type3A_83 = arith.truncf %get3A_82 : f32 to bf16
    %convert_element_type3A_84 = arith.extf %convert_element_type3A_83 : bf16 to f32
    %mul3A_85 = vector.broadcast %convert_element_type3A_84 : f32 to vector<256x2048xf32>
    %mul3A_86 = arith.mulf %convert_element_type3A_79, %mul3A_85 : vector<256x2048xf32>
    %add3A_87 = arith.addf %broadcast_in_dim3A, %mul3A_86 : vector<256x2048xf32>
    %get3A_88 = arith.constant 1 : index
    %get3A_89 = memref.load %arg2[%get3A_88] : memref<16xf32, #tpu.memory_space<smem>>
    %get3A_90 = arith.constant 1 : index
    %get3A_91 = arith.constant 0 : index
    %get3A_92 = memref.load %arg1[%get3A_90, %get3A_91] : memref<16x5xf32, #tpu.memory_space<smem>>
    %convert_element_type3A_93 = arith.truncf %get3A_92 : f32 to bf16
    %convert_element_type3A_94 = arith.extf %convert_element_type3A_93 : bf16 to f32
    %mul3A_95 = vector.broadcast %convert_element_type3A_94 : f32 to vector<256x2048xf32>
    %mul3A_96 = arith.mulf %convert_element_type3A_24, %mul3A_95 : vector<256x2048xf32>
    %add3A_97 = vector.broadcast %get3A_89 : f32 to vector<256x2048xf32>
    %add3A_98 = arith.addf %add3A_97, %mul3A_96 : vector<256x2048xf32>
    %get3A_99 = arith.constant 1 : index
    %get3A_100 = arith.constant 1 : index
    %get3A_101 = memref.load %arg1[%get3A_99, %get3A_100] : memref<16x5xf32, #tpu.memory_space<smem>>
    %convert_element_type3A_102 = arith.truncf %get3A_101 : f32 to bf16
    %convert_element_type3A_103 = arith.extf %convert_element_type3A_102 : bf16 to f32
    %mul3A_104 = vector.broadcast %convert_element_type3A_103 : f32 to vector<256x2048xf32>
    %mul3A_105 = arith.mulf %convert_element_type3A_26, %mul3A_104 : vector<256x2048xf32>
    %add3A_106 = arith.addf %add3A_98, %mul3A_105 : vector<256x2048xf32>
    %get3A_107 = arith.constant 1 : index
    %get3A_108 = arith.constant 2 : index
    %get3A_109 = memref.load %arg1[%get3A_107, %get3A_108] : memref<16x5xf32, #tpu.memory_space<smem>>
    %convert_element_type3A_110 = arith.truncf %get3A_109 : f32 to bf16
    %convert_element_type3A_111 = arith.extf %convert_element_type3A_110 : bf16 to f32
    %mul3A_112 = vector.broadcast %convert_element_type3A_111 : f32 to vector<256x2048xf32>
    %mul3A_113 = arith.mulf %convert_element_type3A_28, %mul3A_112 : vector<256x2048xf32>
    %add3A_114 = arith.addf %add3A_106, %mul3A_113 : vector<256x2048xf32>
    %get3A_115 = arith.constant 1 : index
    %get3A_116 = arith.constant 3 : index
    %get3A_117 = memref.load %arg1[%get3A_115, %get3A_116] : memref<16x5xf32, #tpu.memory_space<smem>>
    %convert_element_type3A_118 = arith.truncf %get3A_117 : f32 to bf16
    %convert_element_type3A_119 = arith.extf %convert_element_type3A_118 : bf16 to f32
    %mul3A_120 = vector.broadcast %convert_element_type3A_119 : f32 to vector<256x2048xf32>
    %mul3A_121 = arith.mulf %convert_element_type3A_30, %mul3A_120 : vector<256x2048xf32>
    %add3A_122 = arith.addf %add3A_114, %mul3A_121 : vector<256x2048xf32>
    %get3A_123 = arith.constant 1 : index
    %get3A_124 = arith.constant 4 : index
    %get3A_125 = memref.load %arg1[%get3A_123, %get3A_124] : memref<16x5xf32, #tpu.memory_space<smem>>
    %convert_element_type3A_126 = arith.truncf %get3A_125 : f32 to bf16
    %convert_element_type3A_127 = arith.extf %convert_element_type3A_126 : bf16 to f32
    %mul3A_128 = vector.broadcast %convert_element_type3A_127 : f32 to vector<256x2048xf32>
    %mul3A_129 = arith.mulf %convert_element_type3A_32, %mul3A_128 : vector<256x2048xf32>
    %add3A_130 = arith.addf %add3A_122, %mul3A_129 : vector<256x2048xf32>
    %max3A_131 = arith.constant 0.000000e+00 : f32
    %max3A_132 = vector.broadcast %max3A_131 : f32 to vector<256x2048xf32>
    %max3A_133 = arith.maximumf %add3A_130, %max3A_132 : vector<256x2048xf32>
    %convert_element_type3A_134 = arith.truncf %max3A_133 : vector<256x2048xf32> to vector<256x2048xbf16>
    %convert_element_type3A_135 = arith.extf %convert_element_type3A_134 : vector<256x2048xbf16> to vector<256x2048xf32>
    %get3A_136 = arith.constant 0 : index
    %get3A_137 = arith.constant 1 : index
    %get3A_138 = memref.load %arg3[%get3A_136, %get3A_137] : memref<1x16xf32, #tpu.memory_space<smem>>
    %convert_element_type3A_139 = arith.truncf %get3A_138 : f32 to bf16
    %convert_element_type3A_140 = arith.extf %convert_element_type3A_139 : bf16 to f32
    %mul3A_141 = vector.broadcast %convert_element_type3A_140 : f32 to vector<256x2048xf32>
    %mul3A_142 = arith.mulf %convert_element_type3A_135, %mul3A_141 : vector<256x2048xf32>
    %add3A_143 = arith.addf %add3A_87, %mul3A_142 : vector<256x2048xf32>
    %get3A_144 = arith.constant 2 : index
    %get3A_145 = memref.load %arg2[%get3A_144] : memref<16xf32, #tpu.memory_space<smem>>
    %get3A_146 = arith.constant 2 : index
    %get3A_147 = arith.constant 0 : index
    %get3A_148 = memref.load %arg1[%get3A_146, %get3A_147] : memref<16x5xf32, #tpu.memory_space<smem>>
    %convert_element_type3A_149 = arith.truncf %get3A_148 : f32 to bf16
    %convert_element_type3A_150 = arith.extf %convert_element_type3A_149 : bf16 to f32
    %mul3A_151 = vector.broadcast %convert_element_type3A_150 : f32 to vector<256x2048xf32>
    %mul3A_152 = arith.mulf %convert_element_type3A_24, %mul3A_151 : vector<256x2048xf32>
    %add3A_153 = vector.broadcast %get3A_145 : f32 to vector<256x2048xf32>
    %add3A_154 = arith.addf %add3A_153, %mul3A_152 : vector<256x2048xf32>
    %get3A_155 = arith.constant 2 : index
    %get3A_156 = arith.constant 1 : index
    %get3A_157 = memref.load %arg1[%get3A_155, %get3A_156] : memref<16x5xf32, #tpu.memory_space<smem>>
    %convert_element_type3A_158 = arith.truncf %get3A_157 : f32 to bf16
    %convert_element_type3A_159 = arith.extf %convert_element_type3A_158 : bf16 to f32
    %mul3A_160 = vector.broadcast %convert_element_type3A_159 : f32 to vector<256x2048xf32>
    %mul3A_161 = arith.mulf %convert_element_type3A_26, %mul3A_160 : vector<256x2048xf32>
    %add3A_162 = arith.addf %add3A_154, %mul3A_161 : vector<256x2048xf32>
    %get3A_163 = arith.constant 2 : index
    %get3A_164 = arith.constant 2 : index
    %get3A_165 = memref.load %arg1[%get3A_163, %get3A_164] : memref<16x5xf32, #tpu.memory_space<smem>>
    %convert_element_type3A_166 = arith.truncf %get3A_165 : f32 to bf16
    %convert_element_type3A_167 = arith.extf %convert_element_type3A_166 : bf16 to f32
    %mul3A_168 = vector.broadcast %convert_element_type3A_167 : f32 to vector<256x2048xf32>
    %mul3A_169 = arith.mulf %convert_element_type3A_28, %mul3A_168 : vector<256x2048xf32>
    %add3A_170 = arith.addf %add3A_162, %mul3A_169 : vector<256x2048xf32>
    %get3A_171 = arith.constant 2 : index
    %get3A_172 = arith.constant 3 : index
    %get3A_173 = memref.load %arg1[%get3A_171, %get3A_172] : memref<16x5xf32, #tpu.memory_space<smem>>
    %convert_element_type3A_174 = arith.truncf %get3A_173 : f32 to bf16
    %convert_element_type3A_175 = arith.extf %convert_element_type3A_174 : bf16 to f32
    %mul3A_176 = vector.broadcast %convert_element_type3A_175 : f32 to vector<256x2048xf32>
    %mul3A_177 = arith.mulf %convert_element_type3A_30, %mul3A_176 : vector<256x2048xf32>
    %add3A_178 = arith.addf %add3A_170, %mul3A_177 : vector<256x2048xf32>
    %get3A_179 = arith.constant 2 : index
    %get3A_180 = arith.constant 4 : index
    %get3A_181 = memref.load %arg1[%get3A_179, %get3A_180] : memref<16x5xf32, #tpu.memory_space<smem>>
    %convert_element_type3A_182 = arith.truncf %get3A_181 : f32 to bf16
    %convert_element_type3A_183 = arith.extf %convert_element_type3A_182 : bf16 to f32
    %mul3A_184 = vector.broadcast %convert_element_type3A_183 : f32 to vector<256x2048xf32>
    %mul3A_185 = arith.mulf %convert_element_type3A_32, %mul3A_184 : vector<256x2048xf32>
    %add3A_186 = arith.addf %add3A_178, %mul3A_185 : vector<256x2048xf32>
    %max3A_187 = arith.constant 0.000000e+00 : f32
    %max3A_188 = vector.broadcast %max3A_187 : f32 to vector<256x2048xf32>
    %max3A_189 = arith.maximumf %add3A_186, %max3A_188 : vector<256x2048xf32>
    %convert_element_type3A_190 = arith.truncf %max3A_189 : vector<256x2048xf32> to vector<256x2048xbf16>
    %convert_element_type3A_191 = arith.extf %convert_element_type3A_190 : vector<256x2048xbf16> to vector<256x2048xf32>
    %get3A_192 = arith.constant 0 : index
    %get3A_193 = arith.constant 2 : index
    %get3A_194 = memref.load %arg3[%get3A_192, %get3A_193] : memref<1x16xf32, #tpu.memory_space<smem>>
    %convert_element_type3A_195 = arith.truncf %get3A_194 : f32 to bf16
    %convert_element_type3A_196 = arith.extf %convert_element_type3A_195 : bf16 to f32
    %mul3A_197 = vector.broadcast %convert_element_type3A_196 : f32 to vector<256x2048xf32>
    %mul3A_198 = arith.mulf %convert_element_type3A_191, %mul3A_197 : vector<256x2048xf32>
    %add3A_199 = arith.addf %add3A_143, %mul3A_198 : vector<256x2048xf32>
    %get3A_200 = arith.constant 3 : index
    %get3A_201 = memref.load %arg2[%get3A_200] : memref<16xf32, #tpu.memory_space<smem>>
    %get3A_202 = arith.constant 3 : index
    %get3A_203 = arith.constant 0 : index
    %get3A_204 = memref.load %arg1[%get3A_202, %get3A_203] : memref<16x5xf32, #tpu.memory_space<smem>>
    %convert_element_type3A_205 = arith.truncf %get3A_204 : f32 to bf16
    %convert_element_type3A_206 = arith.extf %convert_element_type3A_205 : bf16 to f32
    %mul3A_207 = vector.broadcast %convert_element_type3A_206 : f32 to vector<256x2048xf32>
    %mul3A_208 = arith.mulf %convert_element_type3A_24, %mul3A_207 : vector<256x2048xf32>
    %add3A_209 = vector.broadcast %get3A_201 : f32 to vector<256x2048xf32>
    %add3A_210 = arith.addf %add3A_209, %mul3A_208 : vector<256x2048xf32>
    %get3A_211 = arith.constant 3 : index
    %get3A_212 = arith.constant 1 : index
    %get3A_213 = memref.load %arg1[%get3A_211, %get3A_212] : memref<16x5xf32, #tpu.memory_space<smem>>
    %convert_element_type3A_214 = arith.truncf %get3A_213 : f32 to bf16
    %convert_element_type3A_215 = arith.extf %convert_element_type3A_214 : bf16 to f32
    %mul3A_216 = vector.broadcast %convert_element_type3A_215 : f32 to vector<256x2048xf32>
    %mul3A_217 = arith.mulf %convert_element_type3A_26, %mul3A_216 : vector<256x2048xf32>
    %add3A_218 = arith.addf %add3A_210, %mul3A_217 : vector<256x2048xf32>
    %get3A_219 = arith.constant 3 : index
    %get3A_220 = arith.constant 2 : index
    %get3A_221 = memref.load %arg1[%get3A_219, %get3A_220] : memref<16x5xf32, #tpu.memory_space<smem>>
    %convert_element_type3A_222 = arith.truncf %get3A_221 : f32 to bf16
    %convert_element_type3A_223 = arith.extf %convert_element_type3A_222 : bf16 to f32
    %mul3A_224 = vector.broadcast %convert_element_type3A_223 : f32 to vector<256x2048xf32>
    %mul3A_225 = arith.mulf %convert_element_type3A_28, %mul3A_224 : vector<256x2048xf32>
    %add3A_226 = arith.addf %add3A_218, %mul3A_225 : vector<256x2048xf32>
    %get3A_227 = arith.constant 3 : index
    %get3A_228 = arith.constant 3 : index
    %get3A_229 = memref.load %arg1[%get3A_227, %get3A_228] : memref<16x5xf32, #tpu.memory_space<smem>>
    %convert_element_type3A_230 = arith.truncf %get3A_229 : f32 to bf16
    %convert_element_type3A_231 = arith.extf %convert_element_type3A_230 : bf16 to f32
    %mul3A_232 = vector.broadcast %convert_element_type3A_231 : f32 to vector<256x2048xf32>
    %mul3A_233 = arith.mulf %convert_element_type3A_30, %mul3A_232 : vector<256x2048xf32>
    %add3A_234 = arith.addf %add3A_226, %mul3A_233 : vector<256x2048xf32>
    %get3A_235 = arith.constant 3 : index
    %get3A_236 = arith.constant 4 : index
    %get3A_237 = memref.load %arg1[%get3A_235, %get3A_236] : memref<16x5xf32, #tpu.memory_space<smem>>
    %convert_element_type3A_238 = arith.truncf %get3A_237 : f32 to bf16
    %convert_element_type3A_239 = arith.extf %convert_element_type3A_238 : bf16 to f32
    %mul3A_240 = vector.broadcast %convert_element_type3A_239 : f32 to vector<256x2048xf32>
    %mul3A_241 = arith.mulf %convert_element_type3A_32, %mul3A_240 : vector<256x2048xf32>
    %add3A_242 = arith.addf %add3A_234, %mul3A_241 : vector<256x2048xf32>
    %max3A_243 = arith.constant 0.000000e+00 : f32
    %max3A_244 = vector.broadcast %max3A_243 : f32 to vector<256x2048xf32>
    %max3A_245 = arith.maximumf %add3A_242, %max3A_244 : vector<256x2048xf32>
    %convert_element_type3A_246 = arith.truncf %max3A_245 : vector<256x2048xf32> to vector<256x2048xbf16>
    %convert_element_type3A_247 = arith.extf %convert_element_type3A_246 : vector<256x2048xbf16> to vector<256x2048xf32>
    %get3A_248 = arith.constant 0 : index
    %get3A_249 = arith.constant 3 : index
    %get3A_250 = memref.load %arg3[%get3A_248, %get3A_249] : memref<1x16xf32, #tpu.memory_space<smem>>
    %convert_element_type3A_251 = arith.truncf %get3A_250 : f32 to bf16
    %convert_element_type3A_252 = arith.extf %convert_element_type3A_251 : bf16 to f32
    %mul3A_253 = vector.broadcast %convert_element_type3A_252 : f32 to vector<256x2048xf32>
    %mul3A_254 = arith.mulf %convert_element_type3A_247, %mul3A_253 : vector<256x2048xf32>
    %add3A_255 = arith.addf %add3A_199, %mul3A_254 : vector<256x2048xf32>
    %get3A_256 = arith.constant 4 : index
    %get3A_257 = memref.load %arg2[%get3A_256] : memref<16xf32, #tpu.memory_space<smem>>
    %get3A_258 = arith.constant 4 : index
    %get3A_259 = arith.constant 0 : index
    %get3A_260 = memref.load %arg1[%get3A_258, %get3A_259] : memref<16x5xf32, #tpu.memory_space<smem>>
    %convert_element_type3A_261 = arith.truncf %get3A_260 : f32 to bf16
    %convert_element_type3A_262 = arith.extf %convert_element_type3A_261 : bf16 to f32
    %mul3A_263 = vector.broadcast %convert_element_type3A_262 : f32 to vector<256x2048xf32>
    %mul3A_264 = arith.mulf %convert_element_type3A_24, %mul3A_263 : vector<256x2048xf32>
    %add3A_265 = vector.broadcast %get3A_257 : f32 to vector<256x2048xf32>
    %add3A_266 = arith.addf %add3A_265, %mul3A_264 : vector<256x2048xf32>
    %get3A_267 = arith.constant 4 : index
    %get3A_268 = arith.constant 1 : index
    %get3A_269 = memref.load %arg1[%get3A_267, %get3A_268] : memref<16x5xf32, #tpu.memory_space<smem>>
    %convert_element_type3A_270 = arith.truncf %get3A_269 : f32 to bf16
    %convert_element_type3A_271 = arith.extf %convert_element_type3A_270 : bf16 to f32
    %mul3A_272 = vector.broadcast %convert_element_type3A_271 : f32 to vector<256x2048xf32>
    %mul3A_273 = arith.mulf %convert_element_type3A_26, %mul3A_272 : vector<256x2048xf32>
    %add3A_274 = arith.addf %add3A_266, %mul3A_273 : vector<256x2048xf32>
    %get3A_275 = arith.constant 4 : index
    %get3A_276 = arith.constant 2 : index
    %get3A_277 = memref.load %arg1[%get3A_275, %get3A_276] : memref<16x5xf32, #tpu.memory_space<smem>>
    %convert_element_type3A_278 = arith.truncf %get3A_277 : f32 to bf16
    %convert_element_type3A_279 = arith.extf %convert_element_type3A_278 : bf16 to f32
    %mul3A_280 = vector.broadcast %convert_element_type3A_279 : f32 to vector<256x2048xf32>
    %mul3A_281 = arith.mulf %convert_element_type3A_28, %mul3A_280 : vector<256x2048xf32>
    %add3A_282 = arith.addf %add3A_274, %mul3A_281 : vector<256x2048xf32>
    %get3A_283 = arith.constant 4 : index
    %get3A_284 = arith.constant 3 : index
    %get3A_285 = memref.load %arg1[%get3A_283, %get3A_284] : memref<16x5xf32, #tpu.memory_space<smem>>
    %convert_element_type3A_286 = arith.truncf %get3A_285 : f32 to bf16
    %convert_element_type3A_287 = arith.extf %convert_element_type3A_286 : bf16 to f32
    %mul3A_288 = vector.broadcast %convert_element_type3A_287 : f32 to vector<256x2048xf32>
    %mul3A_289 = arith.mulf %convert_element_type3A_30, %mul3A_288 : vector<256x2048xf32>
    %add3A_290 = arith.addf %add3A_282, %mul3A_289 : vector<256x2048xf32>
    %get3A_291 = arith.constant 4 : index
    %get3A_292 = arith.constant 4 : index
    %get3A_293 = memref.load %arg1[%get3A_291, %get3A_292] : memref<16x5xf32, #tpu.memory_space<smem>>
    %convert_element_type3A_294 = arith.truncf %get3A_293 : f32 to bf16
    %convert_element_type3A_295 = arith.extf %convert_element_type3A_294 : bf16 to f32
    %mul3A_296 = vector.broadcast %convert_element_type3A_295 : f32 to vector<256x2048xf32>
    %mul3A_297 = arith.mulf %convert_element_type3A_32, %mul3A_296 : vector<256x2048xf32>
    %add3A_298 = arith.addf %add3A_290, %mul3A_297 : vector<256x2048xf32>
    %max3A_299 = arith.constant 0.000000e+00 : f32
    %max3A_300 = vector.broadcast %max3A_299 : f32 to vector<256x2048xf32>
    %max3A_301 = arith.maximumf %add3A_298, %max3A_300 : vector<256x2048xf32>
    %convert_element_type3A_302 = arith.truncf %max3A_301 : vector<256x2048xf32> to vector<256x2048xbf16>
    %convert_element_type3A_303 = arith.extf %convert_element_type3A_302 : vector<256x2048xbf16> to vector<256x2048xf32>
    %get3A_304 = arith.constant 0 : index
    %get3A_305 = arith.constant 4 : index
    %get3A_306 = memref.load %arg3[%get3A_304, %get3A_305] : memref<1x16xf32, #tpu.memory_space<smem>>
    %convert_element_type3A_307 = arith.truncf %get3A_306 : f32 to bf16
    %convert_element_type3A_308 = arith.extf %convert_element_type3A_307 : bf16 to f32
    %mul3A_309 = vector.broadcast %convert_element_type3A_308 : f32 to vector<256x2048xf32>
    %mul3A_310 = arith.mulf %convert_element_type3A_303, %mul3A_309 : vector<256x2048xf32>
    %add3A_311 = arith.addf %add3A_255, %mul3A_310 : vector<256x2048xf32>
    %get3A_312 = arith.constant 5 : index
    %get3A_313 = memref.load %arg2[%get3A_312] : memref<16xf32, #tpu.memory_space<smem>>
    %get3A_314 = arith.constant 5 : index
    %get3A_315 = arith.constant 0 : index
    %get3A_316 = memref.load %arg1[%get3A_314, %get3A_315] : memref<16x5xf32, #tpu.memory_space<smem>>
    %convert_element_type3A_317 = arith.truncf %get3A_316 : f32 to bf16
    %convert_element_type3A_318 = arith.extf %convert_element_type3A_317 : bf16 to f32
    %mul3A_319 = vector.broadcast %convert_element_type3A_318 : f32 to vector<256x2048xf32>
    %mul3A_320 = arith.mulf %convert_element_type3A_24, %mul3A_319 : vector<256x2048xf32>
    %add3A_321 = vector.broadcast %get3A_313 : f32 to vector<256x2048xf32>
    %add3A_322 = arith.addf %add3A_321, %mul3A_320 : vector<256x2048xf32>
    %get3A_323 = arith.constant 5 : index
    %get3A_324 = arith.constant 1 : index
    %get3A_325 = memref.load %arg1[%get3A_323, %get3A_324] : memref<16x5xf32, #tpu.memory_space<smem>>
    %convert_element_type3A_326 = arith.truncf %get3A_325 : f32 to bf16
    %convert_element_type3A_327 = arith.extf %convert_element_type3A_326 : bf16 to f32
    %mul3A_328 = vector.broadcast %convert_element_type3A_327 : f32 to vector<256x2048xf32>
    %mul3A_329 = arith.mulf %convert_element_type3A_26, %mul3A_328 : vector<256x2048xf32>
    %add3A_330 = arith.addf %add3A_322, %mul3A_329 : vector<256x2048xf32>
    %get3A_331 = arith.constant 5 : index
    %get3A_332 = arith.constant 2 : index
    %get3A_333 = memref.load %arg1[%get3A_331, %get3A_332] : memref<16x5xf32, #tpu.memory_space<smem>>
    %convert_element_type3A_334 = arith.truncf %get3A_333 : f32 to bf16
    %convert_element_type3A_335 = arith.extf %convert_element_type3A_334 : bf16 to f32
    %mul3A_336 = vector.broadcast %convert_element_type3A_335 : f32 to vector<256x2048xf32>
    %mul3A_337 = arith.mulf %convert_element_type3A_28, %mul3A_336 : vector<256x2048xf32>
    %add3A_338 = arith.addf %add3A_330, %mul3A_337 : vector<256x2048xf32>
    %get3A_339 = arith.constant 5 : index
    %get3A_340 = arith.constant 3 : index
    %get3A_341 = memref.load %arg1[%get3A_339, %get3A_340] : memref<16x5xf32, #tpu.memory_space<smem>>
    %convert_element_type3A_342 = arith.truncf %get3A_341 : f32 to bf16
    %convert_element_type3A_343 = arith.extf %convert_element_type3A_342 : bf16 to f32
    %mul3A_344 = vector.broadcast %convert_element_type3A_343 : f32 to vector<256x2048xf32>
    %mul3A_345 = arith.mulf %convert_element_type3A_30, %mul3A_344 : vector<256x2048xf32>
    %add3A_346 = arith.addf %add3A_338, %mul3A_345 : vector<256x2048xf32>
    %get3A_347 = arith.constant 5 : index
    %get3A_348 = arith.constant 4 : index
    %get3A_349 = memref.load %arg1[%get3A_347, %get3A_348] : memref<16x5xf32, #tpu.memory_space<smem>>
    %convert_element_type3A_350 = arith.truncf %get3A_349 : f32 to bf16
    %convert_element_type3A_351 = arith.extf %convert_element_type3A_350 : bf16 to f32
    %mul3A_352 = vector.broadcast %convert_element_type3A_351 : f32 to vector<256x2048xf32>
    %mul3A_353 = arith.mulf %convert_element_type3A_32, %mul3A_352 : vector<256x2048xf32>
    %add3A_354 = arith.addf %add3A_346, %mul3A_353 : vector<256x2048xf32>
    %max3A_355 = arith.constant 0.000000e+00 : f32
    %max3A_356 = vector.broadcast %max3A_355 : f32 to vector<256x2048xf32>
    %max3A_357 = arith.maximumf %add3A_354, %max3A_356 : vector<256x2048xf32>
    %convert_element_type3A_358 = arith.truncf %max3A_357 : vector<256x2048xf32> to vector<256x2048xbf16>
    %convert_element_type3A_359 = arith.extf %convert_element_type3A_358 : vector<256x2048xbf16> to vector<256x2048xf32>
    %get3A_360 = arith.constant 0 : index
    %get3A_361 = arith.constant 5 : index
    %get3A_362 = memref.load %arg3[%get3A_360, %get3A_361] : memref<1x16xf32, #tpu.memory_space<smem>>
    %convert_element_type3A_363 = arith.truncf %get3A_362 : f32 to bf16
    %convert_element_type3A_364 = arith.extf %convert_element_type3A_363 : bf16 to f32
    %mul3A_365 = vector.broadcast %convert_element_type3A_364 : f32 to vector<256x2048xf32>
    %mul3A_366 = arith.mulf %convert_element_type3A_359, %mul3A_365 : vector<256x2048xf32>
    %add3A_367 = arith.addf %add3A_311, %mul3A_366 : vector<256x2048xf32>
    %get3A_368 = arith.constant 6 : index
    %get3A_369 = memref.load %arg2[%get3A_368] : memref<16xf32, #tpu.memory_space<smem>>
    %get3A_370 = arith.constant 6 : index
    %get3A_371 = arith.constant 0 : index
    %get3A_372 = memref.load %arg1[%get3A_370, %get3A_371] : memref<16x5xf32, #tpu.memory_space<smem>>
    %convert_element_type3A_373 = arith.truncf %get3A_372 : f32 to bf16
    %convert_element_type3A_374 = arith.extf %convert_element_type3A_373 : bf16 to f32
    %mul3A_375 = vector.broadcast %convert_element_type3A_374 : f32 to vector<256x2048xf32>
    %mul3A_376 = arith.mulf %convert_element_type3A_24, %mul3A_375 : vector<256x2048xf32>
    %add3A_377 = vector.broadcast %get3A_369 : f32 to vector<256x2048xf32>
    %add3A_378 = arith.addf %add3A_377, %mul3A_376 : vector<256x2048xf32>
    %get3A_379 = arith.constant 6 : index
    %get3A_380 = arith.constant 1 : index
    %get3A_381 = memref.load %arg1[%get3A_379, %get3A_380] : memref<16x5xf32, #tpu.memory_space<smem>>
    %convert_element_type3A_382 = arith.truncf %get3A_381 : f32 to bf16
    %convert_element_type3A_383 = arith.extf %convert_element_type3A_382 : bf16 to f32
    %mul3A_384 = vector.broadcast %convert_element_type3A_383 : f32 to vector<256x2048xf32>
    %mul3A_385 = arith.mulf %convert_element_type3A_26, %mul3A_384 : vector<256x2048xf32>
    %add3A_386 = arith.addf %add3A_378, %mul3A_385 : vector<256x2048xf32>
    %get3A_387 = arith.constant 6 : index
    %get3A_388 = arith.constant 2 : index
    %get3A_389 = memref.load %arg1[%get3A_387, %get3A_388] : memref<16x5xf32, #tpu.memory_space<smem>>
    %convert_element_type3A_390 = arith.truncf %get3A_389 : f32 to bf16
    %convert_element_type3A_391 = arith.extf %convert_element_type3A_390 : bf16 to f32
    %mul3A_392 = vector.broadcast %convert_element_type3A_391 : f32 to vector<256x2048xf32>
    %mul3A_393 = arith.mulf %convert_element_type3A_28, %mul3A_392 : vector<256x2048xf32>
    %add3A_394 = arith.addf %add3A_386, %mul3A_393 : vector<256x2048xf32>
    %get3A_395 = arith.constant 6 : index
    %get3A_396 = arith.constant 3 : index
    %get3A_397 = memref.load %arg1[%get3A_395, %get3A_396] : memref<16x5xf32, #tpu.memory_space<smem>>
    %convert_element_type3A_398 = arith.truncf %get3A_397 : f32 to bf16
    %convert_element_type3A_399 = arith.extf %convert_element_type3A_398 : bf16 to f32
    %mul3A_400 = vector.broadcast %convert_element_type3A_399 : f32 to vector<256x2048xf32>
    %mul3A_401 = arith.mulf %convert_element_type3A_30, %mul3A_400 : vector<256x2048xf32>
    %add3A_402 = arith.addf %add3A_394, %mul3A_401 : vector<256x2048xf32>
    %get3A_403 = arith.constant 6 : index
    %get3A_404 = arith.constant 4 : index
    %get3A_405 = memref.load %arg1[%get3A_403, %get3A_404] : memref<16x5xf32, #tpu.memory_space<smem>>
    %convert_element_type3A_406 = arith.truncf %get3A_405 : f32 to bf16
    %convert_element_type3A_407 = arith.extf %convert_element_type3A_406 : bf16 to f32
    %mul3A_408 = vector.broadcast %convert_element_type3A_407 : f32 to vector<256x2048xf32>
    %mul3A_409 = arith.mulf %convert_element_type3A_32, %mul3A_408 : vector<256x2048xf32>
    %add3A_410 = arith.addf %add3A_402, %mul3A_409 : vector<256x2048xf32>
    %max3A_411 = arith.constant 0.000000e+00 : f32
    %max3A_412 = vector.broadcast %max3A_411 : f32 to vector<256x2048xf32>
    %max3A_413 = arith.maximumf %add3A_410, %max3A_412 : vector<256x2048xf32>
    %convert_element_type3A_414 = arith.truncf %max3A_413 : vector<256x2048xf32> to vector<256x2048xbf16>
    %convert_element_type3A_415 = arith.extf %convert_element_type3A_414 : vector<256x2048xbf16> to vector<256x2048xf32>
    %get3A_416 = arith.constant 0 : index
    %get3A_417 = arith.constant 6 : index
    %get3A_418 = memref.load %arg3[%get3A_416, %get3A_417] : memref<1x16xf32, #tpu.memory_space<smem>>
    %convert_element_type3A_419 = arith.truncf %get3A_418 : f32 to bf16
    %convert_element_type3A_420 = arith.extf %convert_element_type3A_419 : bf16 to f32
    %mul3A_421 = vector.broadcast %convert_element_type3A_420 : f32 to vector<256x2048xf32>
    %mul3A_422 = arith.mulf %convert_element_type3A_415, %mul3A_421 : vector<256x2048xf32>
    %add3A_423 = arith.addf %add3A_367, %mul3A_422 : vector<256x2048xf32>
    %get3A_424 = arith.constant 7 : index
    %get3A_425 = memref.load %arg2[%get3A_424] : memref<16xf32, #tpu.memory_space<smem>>
    %get3A_426 = arith.constant 7 : index
    %get3A_427 = arith.constant 0 : index
    %get3A_428 = memref.load %arg1[%get3A_426, %get3A_427] : memref<16x5xf32, #tpu.memory_space<smem>>
    %convert_element_type3A_429 = arith.truncf %get3A_428 : f32 to bf16
    %convert_element_type3A_430 = arith.extf %convert_element_type3A_429 : bf16 to f32
    %mul3A_431 = vector.broadcast %convert_element_type3A_430 : f32 to vector<256x2048xf32>
    %mul3A_432 = arith.mulf %convert_element_type3A_24, %mul3A_431 : vector<256x2048xf32>
    %add3A_433 = vector.broadcast %get3A_425 : f32 to vector<256x2048xf32>
    %add3A_434 = arith.addf %add3A_433, %mul3A_432 : vector<256x2048xf32>
    %get3A_435 = arith.constant 7 : index
    %get3A_436 = arith.constant 1 : index
    %get3A_437 = memref.load %arg1[%get3A_435, %get3A_436] : memref<16x5xf32, #tpu.memory_space<smem>>
    %convert_element_type3A_438 = arith.truncf %get3A_437 : f32 to bf16
    %convert_element_type3A_439 = arith.extf %convert_element_type3A_438 : bf16 to f32
    %mul3A_440 = vector.broadcast %convert_element_type3A_439 : f32 to vector<256x2048xf32>
    %mul3A_441 = arith.mulf %convert_element_type3A_26, %mul3A_440 : vector<256x2048xf32>
    %add3A_442 = arith.addf %add3A_434, %mul3A_441 : vector<256x2048xf32>
    %get3A_443 = arith.constant 7 : index
    %get3A_444 = arith.constant 2 : index
    %get3A_445 = memref.load %arg1[%get3A_443, %get3A_444] : memref<16x5xf32, #tpu.memory_space<smem>>
    %convert_element_type3A_446 = arith.truncf %get3A_445 : f32 to bf16
    %convert_element_type3A_447 = arith.extf %convert_element_type3A_446 : bf16 to f32
    %mul3A_448 = vector.broadcast %convert_element_type3A_447 : f32 to vector<256x2048xf32>
    %mul3A_449 = arith.mulf %convert_element_type3A_28, %mul3A_448 : vector<256x2048xf32>
    %add3A_450 = arith.addf %add3A_442, %mul3A_449 : vector<256x2048xf32>
    %get3A_451 = arith.constant 7 : index
    %get3A_452 = arith.constant 3 : index
    %get3A_453 = memref.load %arg1[%get3A_451, %get3A_452] : memref<16x5xf32, #tpu.memory_space<smem>>
    %convert_element_type3A_454 = arith.truncf %get3A_453 : f32 to bf16
    %convert_element_type3A_455 = arith.extf %convert_element_type3A_454 : bf16 to f32
    %mul3A_456 = vector.broadcast %convert_element_type3A_455 : f32 to vector<256x2048xf32>
    %mul3A_457 = arith.mulf %convert_element_type3A_30, %mul3A_456 : vector<256x2048xf32>
    %add3A_458 = arith.addf %add3A_450, %mul3A_457 : vector<256x2048xf32>
    %get3A_459 = arith.constant 7 : index
    %get3A_460 = arith.constant 4 : index
    %get3A_461 = memref.load %arg1[%get3A_459, %get3A_460] : memref<16x5xf32, #tpu.memory_space<smem>>
    %convert_element_type3A_462 = arith.truncf %get3A_461 : f32 to bf16
    %convert_element_type3A_463 = arith.extf %convert_element_type3A_462 : bf16 to f32
    %mul3A_464 = vector.broadcast %convert_element_type3A_463 : f32 to vector<256x2048xf32>
    %mul3A_465 = arith.mulf %convert_element_type3A_32, %mul3A_464 : vector<256x2048xf32>
    %add3A_466 = arith.addf %add3A_458, %mul3A_465 : vector<256x2048xf32>
    %max3A_467 = arith.constant 0.000000e+00 : f32
    %max3A_468 = vector.broadcast %max3A_467 : f32 to vector<256x2048xf32>
    %max3A_469 = arith.maximumf %add3A_466, %max3A_468 : vector<256x2048xf32>
    %convert_element_type3A_470 = arith.truncf %max3A_469 : vector<256x2048xf32> to vector<256x2048xbf16>
    %convert_element_type3A_471 = arith.extf %convert_element_type3A_470 : vector<256x2048xbf16> to vector<256x2048xf32>
    %get3A_472 = arith.constant 0 : index
    %get3A_473 = arith.constant 7 : index
    %get3A_474 = memref.load %arg3[%get3A_472, %get3A_473] : memref<1x16xf32, #tpu.memory_space<smem>>
    %convert_element_type3A_475 = arith.truncf %get3A_474 : f32 to bf16
    %convert_element_type3A_476 = arith.extf %convert_element_type3A_475 : bf16 to f32
    %mul3A_477 = vector.broadcast %convert_element_type3A_476 : f32 to vector<256x2048xf32>
    %mul3A_478 = arith.mulf %convert_element_type3A_471, %mul3A_477 : vector<256x2048xf32>
    %add3A_479 = arith.addf %add3A_423, %mul3A_478 : vector<256x2048xf32>
    %get3A_480 = arith.constant 8 : index
    %get3A_481 = memref.load %arg2[%get3A_480] : memref<16xf32, #tpu.memory_space<smem>>
    %get3A_482 = arith.constant 8 : index
    %get3A_483 = arith.constant 0 : index
    %get3A_484 = memref.load %arg1[%get3A_482, %get3A_483] : memref<16x5xf32, #tpu.memory_space<smem>>
    %convert_element_type3A_485 = arith.truncf %get3A_484 : f32 to bf16
    %convert_element_type3A_486 = arith.extf %convert_element_type3A_485 : bf16 to f32
    %mul3A_487 = vector.broadcast %convert_element_type3A_486 : f32 to vector<256x2048xf32>
    %mul3A_488 = arith.mulf %convert_element_type3A_24, %mul3A_487 : vector<256x2048xf32>
    %add3A_489 = vector.broadcast %get3A_481 : f32 to vector<256x2048xf32>
    %add3A_490 = arith.addf %add3A_489, %mul3A_488 : vector<256x2048xf32>
    %get3A_491 = arith.constant 8 : index
    %get3A_492 = arith.constant 1 : index
    %get3A_493 = memref.load %arg1[%get3A_491, %get3A_492] : memref<16x5xf32, #tpu.memory_space<smem>>
    %convert_element_type3A_494 = arith.truncf %get3A_493 : f32 to bf16
    %convert_element_type3A_495 = arith.extf %convert_element_type3A_494 : bf16 to f32
    %mul3A_496 = vector.broadcast %convert_element_type3A_495 : f32 to vector<256x2048xf32>
    %mul3A_497 = arith.mulf %convert_element_type3A_26, %mul3A_496 : vector<256x2048xf32>
    %add3A_498 = arith.addf %add3A_490, %mul3A_497 : vector<256x2048xf32>
    %get3A_499 = arith.constant 8 : index
    %get3A_500 = arith.constant 2 : index
    %get3A_501 = memref.load %arg1[%get3A_499, %get3A_500] : memref<16x5xf32, #tpu.memory_space<smem>>
    %convert_element_type3A_502 = arith.truncf %get3A_501 : f32 to bf16
    %convert_element_type3A_503 = arith.extf %convert_element_type3A_502 : bf16 to f32
    %mul3A_504 = vector.broadcast %convert_element_type3A_503 : f32 to vector<256x2048xf32>
    %mul3A_505 = arith.mulf %convert_element_type3A_28, %mul3A_504 : vector<256x2048xf32>
    %add3A_506 = arith.addf %add3A_498, %mul3A_505 : vector<256x2048xf32>
    %get3A_507 = arith.constant 8 : index
    %get3A_508 = arith.constant 3 : index
    %get3A_509 = memref.load %arg1[%get3A_507, %get3A_508] : memref<16x5xf32, #tpu.memory_space<smem>>
    %convert_element_type3A_510 = arith.truncf %get3A_509 : f32 to bf16
    %convert_element_type3A_511 = arith.extf %convert_element_type3A_510 : bf16 to f32
    %mul3A_512 = vector.broadcast %convert_element_type3A_511 : f32 to vector<256x2048xf32>
    %mul3A_513 = arith.mulf %convert_element_type3A_30, %mul3A_512 : vector<256x2048xf32>
    %add3A_514 = arith.addf %add3A_506, %mul3A_513 : vector<256x2048xf32>
    %get3A_515 = arith.constant 8 : index
    %get3A_516 = arith.constant 4 : index
    %get3A_517 = memref.load %arg1[%get3A_515, %get3A_516] : memref<16x5xf32, #tpu.memory_space<smem>>
    %convert_element_type3A_518 = arith.truncf %get3A_517 : f32 to bf16
    %convert_element_type3A_519 = arith.extf %convert_element_type3A_518 : bf16 to f32
    %mul3A_520 = vector.broadcast %convert_element_type3A_519 : f32 to vector<256x2048xf32>
    %mul3A_521 = arith.mulf %convert_element_type3A_32, %mul3A_520 : vector<256x2048xf32>
    %add3A_522 = arith.addf %add3A_514, %mul3A_521 : vector<256x2048xf32>
    %max3A_523 = arith.constant 0.000000e+00 : f32
    %max3A_524 = vector.broadcast %max3A_523 : f32 to vector<256x2048xf32>
    %max3A_525 = arith.maximumf %add3A_522, %max3A_524 : vector<256x2048xf32>
    %convert_element_type3A_526 = arith.truncf %max3A_525 : vector<256x2048xf32> to vector<256x2048xbf16>
    %convert_element_type3A_527 = arith.extf %convert_element_type3A_526 : vector<256x2048xbf16> to vector<256x2048xf32>
    %get3A_528 = arith.constant 0 : index
    %get3A_529 = arith.constant 8 : index
    %get3A_530 = memref.load %arg3[%get3A_528, %get3A_529] : memref<1x16xf32, #tpu.memory_space<smem>>
    %convert_element_type3A_531 = arith.truncf %get3A_530 : f32 to bf16
    %convert_element_type3A_532 = arith.extf %convert_element_type3A_531 : bf16 to f32
    %mul3A_533 = vector.broadcast %convert_element_type3A_532 : f32 to vector<256x2048xf32>
    %mul3A_534 = arith.mulf %convert_element_type3A_527, %mul3A_533 : vector<256x2048xf32>
    %add3A_535 = arith.addf %add3A_479, %mul3A_534 : vector<256x2048xf32>
    %get3A_536 = arith.constant 9 : index
    %get3A_537 = memref.load %arg2[%get3A_536] : memref<16xf32, #tpu.memory_space<smem>>
    %get3A_538 = arith.constant 9 : index
    %get3A_539 = arith.constant 0 : index
    %get3A_540 = memref.load %arg1[%get3A_538, %get3A_539] : memref<16x5xf32, #tpu.memory_space<smem>>
    %convert_element_type3A_541 = arith.truncf %get3A_540 : f32 to bf16
    %convert_element_type3A_542 = arith.extf %convert_element_type3A_541 : bf16 to f32
    %mul3A_543 = vector.broadcast %convert_element_type3A_542 : f32 to vector<256x2048xf32>
    %mul3A_544 = arith.mulf %convert_element_type3A_24, %mul3A_543 : vector<256x2048xf32>
    %add3A_545 = vector.broadcast %get3A_537 : f32 to vector<256x2048xf32>
    %add3A_546 = arith.addf %add3A_545, %mul3A_544 : vector<256x2048xf32>
    %get3A_547 = arith.constant 9 : index
    %get3A_548 = arith.constant 1 : index
    %get3A_549 = memref.load %arg1[%get3A_547, %get3A_548] : memref<16x5xf32, #tpu.memory_space<smem>>
    %convert_element_type3A_550 = arith.truncf %get3A_549 : f32 to bf16
    %convert_element_type3A_551 = arith.extf %convert_element_type3A_550 : bf16 to f32
    %mul3A_552 = vector.broadcast %convert_element_type3A_551 : f32 to vector<256x2048xf32>
    %mul3A_553 = arith.mulf %convert_element_type3A_26, %mul3A_552 : vector<256x2048xf32>
    %add3A_554 = arith.addf %add3A_546, %mul3A_553 : vector<256x2048xf32>
    %get3A_555 = arith.constant 9 : index
    %get3A_556 = arith.constant 2 : index
    %get3A_557 = memref.load %arg1[%get3A_555, %get3A_556] : memref<16x5xf32, #tpu.memory_space<smem>>
    %convert_element_type3A_558 = arith.truncf %get3A_557 : f32 to bf16
    %convert_element_type3A_559 = arith.extf %convert_element_type3A_558 : bf16 to f32
    %mul3A_560 = vector.broadcast %convert_element_type3A_559 : f32 to vector<256x2048xf32>
    %mul3A_561 = arith.mulf %convert_element_type3A_28, %mul3A_560 : vector<256x2048xf32>
    %add3A_562 = arith.addf %add3A_554, %mul3A_561 : vector<256x2048xf32>
    %get3A_563 = arith.constant 9 : index
    %get3A_564 = arith.constant 3 : index
    %get3A_565 = memref.load %arg1[%get3A_563, %get3A_564] : memref<16x5xf32, #tpu.memory_space<smem>>
    %convert_element_type3A_566 = arith.truncf %get3A_565 : f32 to bf16
    %convert_element_type3A_567 = arith.extf %convert_element_type3A_566 : bf16 to f32
    %mul3A_568 = vector.broadcast %convert_element_type3A_567 : f32 to vector<256x2048xf32>
    %mul3A_569 = arith.mulf %convert_element_type3A_30, %mul3A_568 : vector<256x2048xf32>
    %add3A_570 = arith.addf %add3A_562, %mul3A_569 : vector<256x2048xf32>
    %get3A_571 = arith.constant 9 : index
    %get3A_572 = arith.constant 4 : index
    %get3A_573 = memref.load %arg1[%get3A_571, %get3A_572] : memref<16x5xf32, #tpu.memory_space<smem>>
    %convert_element_type3A_574 = arith.truncf %get3A_573 : f32 to bf16
    %convert_element_type3A_575 = arith.extf %convert_element_type3A_574 : bf16 to f32
    %mul3A_576 = vector.broadcast %convert_element_type3A_575 : f32 to vector<256x2048xf32>
    %mul3A_577 = arith.mulf %convert_element_type3A_32, %mul3A_576 : vector<256x2048xf32>
    %add3A_578 = arith.addf %add3A_570, %mul3A_577 : vector<256x2048xf32>
    %max3A_579 = arith.constant 0.000000e+00 : f32
    %max3A_580 = vector.broadcast %max3A_579 : f32 to vector<256x2048xf32>
    %max3A_581 = arith.maximumf %add3A_578, %max3A_580 : vector<256x2048xf32>
    %convert_element_type3A_582 = arith.truncf %max3A_581 : vector<256x2048xf32> to vector<256x2048xbf16>
    %convert_element_type3A_583 = arith.extf %convert_element_type3A_582 : vector<256x2048xbf16> to vector<256x2048xf32>
    %get3A_584 = arith.constant 0 : index
    %get3A_585 = arith.constant 9 : index
    %get3A_586 = memref.load %arg3[%get3A_584, %get3A_585] : memref<1x16xf32, #tpu.memory_space<smem>>
    %convert_element_type3A_587 = arith.truncf %get3A_586 : f32 to bf16
    %convert_element_type3A_588 = arith.extf %convert_element_type3A_587 : bf16 to f32
    %mul3A_589 = vector.broadcast %convert_element_type3A_588 : f32 to vector<256x2048xf32>
    %mul3A_590 = arith.mulf %convert_element_type3A_583, %mul3A_589 : vector<256x2048xf32>
    %add3A_591 = arith.addf %add3A_535, %mul3A_590 : vector<256x2048xf32>
    %get3A_592 = arith.constant 10 : index
    %get3A_593 = memref.load %arg2[%get3A_592] : memref<16xf32, #tpu.memory_space<smem>>
    %get3A_594 = arith.constant 10 : index
    %get3A_595 = arith.constant 0 : index
    %get3A_596 = memref.load %arg1[%get3A_594, %get3A_595] : memref<16x5xf32, #tpu.memory_space<smem>>
    %convert_element_type3A_597 = arith.truncf %get3A_596 : f32 to bf16
    %convert_element_type3A_598 = arith.extf %convert_element_type3A_597 : bf16 to f32
    %mul3A_599 = vector.broadcast %convert_element_type3A_598 : f32 to vector<256x2048xf32>
    %mul3A_600 = arith.mulf %convert_element_type3A_24, %mul3A_599 : vector<256x2048xf32>
    %add3A_601 = vector.broadcast %get3A_593 : f32 to vector<256x2048xf32>
    %add3A_602 = arith.addf %add3A_601, %mul3A_600 : vector<256x2048xf32>
    %get3A_603 = arith.constant 10 : index
    %get3A_604 = arith.constant 1 : index
    %get3A_605 = memref.load %arg1[%get3A_603, %get3A_604] : memref<16x5xf32, #tpu.memory_space<smem>>
    %convert_element_type3A_606 = arith.truncf %get3A_605 : f32 to bf16
    %convert_element_type3A_607 = arith.extf %convert_element_type3A_606 : bf16 to f32
    %mul3A_608 = vector.broadcast %convert_element_type3A_607 : f32 to vector<256x2048xf32>
    %mul3A_609 = arith.mulf %convert_element_type3A_26, %mul3A_608 : vector<256x2048xf32>
    %add3A_610 = arith.addf %add3A_602, %mul3A_609 : vector<256x2048xf32>
    %get3A_611 = arith.constant 10 : index
    %get3A_612 = arith.constant 2 : index
    %get3A_613 = memref.load %arg1[%get3A_611, %get3A_612] : memref<16x5xf32, #tpu.memory_space<smem>>
    %convert_element_type3A_614 = arith.truncf %get3A_613 : f32 to bf16
    %convert_element_type3A_615 = arith.extf %convert_element_type3A_614 : bf16 to f32
    %mul3A_616 = vector.broadcast %convert_element_type3A_615 : f32 to vector<256x2048xf32>
    %mul3A_617 = arith.mulf %convert_element_type3A_28, %mul3A_616 : vector<256x2048xf32>
    %add3A_618 = arith.addf %add3A_610, %mul3A_617 : vector<256x2048xf32>
    %get3A_619 = arith.constant 10 : index
    %get3A_620 = arith.constant 3 : index
    %get3A_621 = memref.load %arg1[%get3A_619, %get3A_620] : memref<16x5xf32, #tpu.memory_space<smem>>
    %convert_element_type3A_622 = arith.truncf %get3A_621 : f32 to bf16
    %convert_element_type3A_623 = arith.extf %convert_element_type3A_622 : bf16 to f32
    %mul3A_624 = vector.broadcast %convert_element_type3A_623 : f32 to vector<256x2048xf32>
    %mul3A_625 = arith.mulf %convert_element_type3A_30, %mul3A_624 : vector<256x2048xf32>
    %add3A_626 = arith.addf %add3A_618, %mul3A_625 : vector<256x2048xf32>
    %get3A_627 = arith.constant 10 : index
    %get3A_628 = arith.constant 4 : index
    %get3A_629 = memref.load %arg1[%get3A_627, %get3A_628] : memref<16x5xf32, #tpu.memory_space<smem>>
    %convert_element_type3A_630 = arith.truncf %get3A_629 : f32 to bf16
    %convert_element_type3A_631 = arith.extf %convert_element_type3A_630 : bf16 to f32
    %mul3A_632 = vector.broadcast %convert_element_type3A_631 : f32 to vector<256x2048xf32>
    %mul3A_633 = arith.mulf %convert_element_type3A_32, %mul3A_632 : vector<256x2048xf32>
    %add3A_634 = arith.addf %add3A_626, %mul3A_633 : vector<256x2048xf32>
    %max3A_635 = arith.constant 0.000000e+00 : f32
    %max3A_636 = vector.broadcast %max3A_635 : f32 to vector<256x2048xf32>
    %max3A_637 = arith.maximumf %add3A_634, %max3A_636 : vector<256x2048xf32>
    %convert_element_type3A_638 = arith.truncf %max3A_637 : vector<256x2048xf32> to vector<256x2048xbf16>
    %convert_element_type3A_639 = arith.extf %convert_element_type3A_638 : vector<256x2048xbf16> to vector<256x2048xf32>
    %get3A_640 = arith.constant 0 : index
    %get3A_641 = arith.constant 10 : index
    %get3A_642 = memref.load %arg3[%get3A_640, %get3A_641] : memref<1x16xf32, #tpu.memory_space<smem>>
    %convert_element_type3A_643 = arith.truncf %get3A_642 : f32 to bf16
    %convert_element_type3A_644 = arith.extf %convert_element_type3A_643 : bf16 to f32
    %mul3A_645 = vector.broadcast %convert_element_type3A_644 : f32 to vector<256x2048xf32>
    %mul3A_646 = arith.mulf %convert_element_type3A_639, %mul3A_645 : vector<256x2048xf32>
    %add3A_647 = arith.addf %add3A_591, %mul3A_646 : vector<256x2048xf32>
    %get3A_648 = arith.constant 11 : index
    %get3A_649 = memref.load %arg2[%get3A_648] : memref<16xf32, #tpu.memory_space<smem>>
    %get3A_650 = arith.constant 11 : index
    %get3A_651 = arith.constant 0 : index
    %get3A_652 = memref.load %arg1[%get3A_650, %get3A_651] : memref<16x5xf32, #tpu.memory_space<smem>>
    %convert_element_type3A_653 = arith.truncf %get3A_652 : f32 to bf16
    %convert_element_type3A_654 = arith.extf %convert_element_type3A_653 : bf16 to f32
    %mul3A_655 = vector.broadcast %convert_element_type3A_654 : f32 to vector<256x2048xf32>
    %mul3A_656 = arith.mulf %convert_element_type3A_24, %mul3A_655 : vector<256x2048xf32>
    %add3A_657 = vector.broadcast %get3A_649 : f32 to vector<256x2048xf32>
    %add3A_658 = arith.addf %add3A_657, %mul3A_656 : vector<256x2048xf32>
    %get3A_659 = arith.constant 11 : index
    %get3A_660 = arith.constant 1 : index
    %get3A_661 = memref.load %arg1[%get3A_659, %get3A_660] : memref<16x5xf32, #tpu.memory_space<smem>>
    %convert_element_type3A_662 = arith.truncf %get3A_661 : f32 to bf16
    %convert_element_type3A_663 = arith.extf %convert_element_type3A_662 : bf16 to f32
    %mul3A_664 = vector.broadcast %convert_element_type3A_663 : f32 to vector<256x2048xf32>
    %mul3A_665 = arith.mulf %convert_element_type3A_26, %mul3A_664 : vector<256x2048xf32>
    %add3A_666 = arith.addf %add3A_658, %mul3A_665 : vector<256x2048xf32>
    %get3A_667 = arith.constant 11 : index
    %get3A_668 = arith.constant 2 : index
    %get3A_669 = memref.load %arg1[%get3A_667, %get3A_668] : memref<16x5xf32, #tpu.memory_space<smem>>
    %convert_element_type3A_670 = arith.truncf %get3A_669 : f32 to bf16
    %convert_element_type3A_671 = arith.extf %convert_element_type3A_670 : bf16 to f32
    %mul3A_672 = vector.broadcast %convert_element_type3A_671 : f32 to vector<256x2048xf32>
    %mul3A_673 = arith.mulf %convert_element_type3A_28, %mul3A_672 : vector<256x2048xf32>
    %add3A_674 = arith.addf %add3A_666, %mul3A_673 : vector<256x2048xf32>
    %get3A_675 = arith.constant 11 : index
    %get3A_676 = arith.constant 3 : index
    %get3A_677 = memref.load %arg1[%get3A_675, %get3A_676] : memref<16x5xf32, #tpu.memory_space<smem>>
    %convert_element_type3A_678 = arith.truncf %get3A_677 : f32 to bf16
    %convert_element_type3A_679 = arith.extf %convert_element_type3A_678 : bf16 to f32
    %mul3A_680 = vector.broadcast %convert_element_type3A_679 : f32 to vector<256x2048xf32>
    %mul3A_681 = arith.mulf %convert_element_type3A_30, %mul3A_680 : vector<256x2048xf32>
    %add3A_682 = arith.addf %add3A_674, %mul3A_681 : vector<256x2048xf32>
    %get3A_683 = arith.constant 11 : index
    %get3A_684 = arith.constant 4 : index
    %get3A_685 = memref.load %arg1[%get3A_683, %get3A_684] : memref<16x5xf32, #tpu.memory_space<smem>>
    %convert_element_type3A_686 = arith.truncf %get3A_685 : f32 to bf16
    %convert_element_type3A_687 = arith.extf %convert_element_type3A_686 : bf16 to f32
    %mul3A_688 = vector.broadcast %convert_element_type3A_687 : f32 to vector<256x2048xf32>
    %mul3A_689 = arith.mulf %convert_element_type3A_32, %mul3A_688 : vector<256x2048xf32>
    %add3A_690 = arith.addf %add3A_682, %mul3A_689 : vector<256x2048xf32>
    %max3A_691 = arith.constant 0.000000e+00 : f32
    %max3A_692 = vector.broadcast %max3A_691 : f32 to vector<256x2048xf32>
    %max3A_693 = arith.maximumf %add3A_690, %max3A_692 : vector<256x2048xf32>
    %convert_element_type3A_694 = arith.truncf %max3A_693 : vector<256x2048xf32> to vector<256x2048xbf16>
    %convert_element_type3A_695 = arith.extf %convert_element_type3A_694 : vector<256x2048xbf16> to vector<256x2048xf32>
    %get3A_696 = arith.constant 0 : index
    %get3A_697 = arith.constant 11 : index
    %get3A_698 = memref.load %arg3[%get3A_696, %get3A_697] : memref<1x16xf32, #tpu.memory_space<smem>>
    %convert_element_type3A_699 = arith.truncf %get3A_698 : f32 to bf16
    %convert_element_type3A_700 = arith.extf %convert_element_type3A_699 : bf16 to f32
    %mul3A_701 = vector.broadcast %convert_element_type3A_700 : f32 to vector<256x2048xf32>
    %mul3A_702 = arith.mulf %convert_element_type3A_695, %mul3A_701 : vector<256x2048xf32>
    %add3A_703 = arith.addf %add3A_647, %mul3A_702 : vector<256x2048xf32>
    %get3A_704 = arith.constant 12 : index
    %get3A_705 = memref.load %arg2[%get3A_704] : memref<16xf32, #tpu.memory_space<smem>>
    %get3A_706 = arith.constant 12 : index
    %get3A_707 = arith.constant 0 : index
    %get3A_708 = memref.load %arg1[%get3A_706, %get3A_707] : memref<16x5xf32, #tpu.memory_space<smem>>
    %convert_element_type3A_709 = arith.truncf %get3A_708 : f32 to bf16
    %convert_element_type3A_710 = arith.extf %convert_element_type3A_709 : bf16 to f32
    %mul3A_711 = vector.broadcast %convert_element_type3A_710 : f32 to vector<256x2048xf32>
    %mul3A_712 = arith.mulf %convert_element_type3A_24, %mul3A_711 : vector<256x2048xf32>
    %add3A_713 = vector.broadcast %get3A_705 : f32 to vector<256x2048xf32>
    %add3A_714 = arith.addf %add3A_713, %mul3A_712 : vector<256x2048xf32>
    %get3A_715 = arith.constant 12 : index
    %get3A_716 = arith.constant 1 : index
    %get3A_717 = memref.load %arg1[%get3A_715, %get3A_716] : memref<16x5xf32, #tpu.memory_space<smem>>
    %convert_element_type3A_718 = arith.truncf %get3A_717 : f32 to bf16
    %convert_element_type3A_719 = arith.extf %convert_element_type3A_718 : bf16 to f32
    %mul3A_720 = vector.broadcast %convert_element_type3A_719 : f32 to vector<256x2048xf32>
    %mul3A_721 = arith.mulf %convert_element_type3A_26, %mul3A_720 : vector<256x2048xf32>
    %add3A_722 = arith.addf %add3A_714, %mul3A_721 : vector<256x2048xf32>
    %get3A_723 = arith.constant 12 : index
    %get3A_724 = arith.constant 2 : index
    %get3A_725 = memref.load %arg1[%get3A_723, %get3A_724] : memref<16x5xf32, #tpu.memory_space<smem>>
    %convert_element_type3A_726 = arith.truncf %get3A_725 : f32 to bf16
    %convert_element_type3A_727 = arith.extf %convert_element_type3A_726 : bf16 to f32
    %mul3A_728 = vector.broadcast %convert_element_type3A_727 : f32 to vector<256x2048xf32>
    %mul3A_729 = arith.mulf %convert_element_type3A_28, %mul3A_728 : vector<256x2048xf32>
    %add3A_730 = arith.addf %add3A_722, %mul3A_729 : vector<256x2048xf32>
    %get3A_731 = arith.constant 12 : index
    %get3A_732 = arith.constant 3 : index
    %get3A_733 = memref.load %arg1[%get3A_731, %get3A_732] : memref<16x5xf32, #tpu.memory_space<smem>>
    %convert_element_type3A_734 = arith.truncf %get3A_733 : f32 to bf16
    %convert_element_type3A_735 = arith.extf %convert_element_type3A_734 : bf16 to f32
    %mul3A_736 = vector.broadcast %convert_element_type3A_735 : f32 to vector<256x2048xf32>
    %mul3A_737 = arith.mulf %convert_element_type3A_30, %mul3A_736 : vector<256x2048xf32>
    %add3A_738 = arith.addf %add3A_730, %mul3A_737 : vector<256x2048xf32>
    %get3A_739 = arith.constant 12 : index
    %get3A_740 = arith.constant 4 : index
    %get3A_741 = memref.load %arg1[%get3A_739, %get3A_740] : memref<16x5xf32, #tpu.memory_space<smem>>
    %convert_element_type3A_742 = arith.truncf %get3A_741 : f32 to bf16
    %convert_element_type3A_743 = arith.extf %convert_element_type3A_742 : bf16 to f32
    %mul3A_744 = vector.broadcast %convert_element_type3A_743 : f32 to vector<256x2048xf32>
    %mul3A_745 = arith.mulf %convert_element_type3A_32, %mul3A_744 : vector<256x2048xf32>
    %add3A_746 = arith.addf %add3A_738, %mul3A_745 : vector<256x2048xf32>
    %max3A_747 = arith.constant 0.000000e+00 : f32
    %max3A_748 = vector.broadcast %max3A_747 : f32 to vector<256x2048xf32>
    %max3A_749 = arith.maximumf %add3A_746, %max3A_748 : vector<256x2048xf32>
    %convert_element_type3A_750 = arith.truncf %max3A_749 : vector<256x2048xf32> to vector<256x2048xbf16>
    %convert_element_type3A_751 = arith.extf %convert_element_type3A_750 : vector<256x2048xbf16> to vector<256x2048xf32>
    %get3A_752 = arith.constant 0 : index
    %get3A_753 = arith.constant 12 : index
    %get3A_754 = memref.load %arg3[%get3A_752, %get3A_753] : memref<1x16xf32, #tpu.memory_space<smem>>
    %convert_element_type3A_755 = arith.truncf %get3A_754 : f32 to bf16
    %convert_element_type3A_756 = arith.extf %convert_element_type3A_755 : bf16 to f32
    %mul3A_757 = vector.broadcast %convert_element_type3A_756 : f32 to vector<256x2048xf32>
    %mul3A_758 = arith.mulf %convert_element_type3A_751, %mul3A_757 : vector<256x2048xf32>
    %add3A_759 = arith.addf %add3A_703, %mul3A_758 : vector<256x2048xf32>
    %get3A_760 = arith.constant 13 : index
    %get3A_761 = memref.load %arg2[%get3A_760] : memref<16xf32, #tpu.memory_space<smem>>
    %get3A_762 = arith.constant 13 : index
    %get3A_763 = arith.constant 0 : index
    %get3A_764 = memref.load %arg1[%get3A_762, %get3A_763] : memref<16x5xf32, #tpu.memory_space<smem>>
    %convert_element_type3A_765 = arith.truncf %get3A_764 : f32 to bf16
    %convert_element_type3A_766 = arith.extf %convert_element_type3A_765 : bf16 to f32
    %mul3A_767 = vector.broadcast %convert_element_type3A_766 : f32 to vector<256x2048xf32>
    %mul3A_768 = arith.mulf %convert_element_type3A_24, %mul3A_767 : vector<256x2048xf32>
    %add3A_769 = vector.broadcast %get3A_761 : f32 to vector<256x2048xf32>
    %add3A_770 = arith.addf %add3A_769, %mul3A_768 : vector<256x2048xf32>
    %get3A_771 = arith.constant 13 : index
    %get3A_772 = arith.constant 1 : index
    %get3A_773 = memref.load %arg1[%get3A_771, %get3A_772] : memref<16x5xf32, #tpu.memory_space<smem>>
    %convert_element_type3A_774 = arith.truncf %get3A_773 : f32 to bf16
    %convert_element_type3A_775 = arith.extf %convert_element_type3A_774 : bf16 to f32
    %mul3A_776 = vector.broadcast %convert_element_type3A_775 : f32 to vector<256x2048xf32>
    %mul3A_777 = arith.mulf %convert_element_type3A_26, %mul3A_776 : vector<256x2048xf32>
    %add3A_778 = arith.addf %add3A_770, %mul3A_777 : vector<256x2048xf32>
    %get3A_779 = arith.constant 13 : index
    %get3A_780 = arith.constant 2 : index
    %get3A_781 = memref.load %arg1[%get3A_779, %get3A_780] : memref<16x5xf32, #tpu.memory_space<smem>>
    %convert_element_type3A_782 = arith.truncf %get3A_781 : f32 to bf16
    %convert_element_type3A_783 = arith.extf %convert_element_type3A_782 : bf16 to f32
    %mul3A_784 = vector.broadcast %convert_element_type3A_783 : f32 to vector<256x2048xf32>
    %mul3A_785 = arith.mulf %convert_element_type3A_28, %mul3A_784 : vector<256x2048xf32>
    %add3A_786 = arith.addf %add3A_778, %mul3A_785 : vector<256x2048xf32>
    %get3A_787 = arith.constant 13 : index
    %get3A_788 = arith.constant 3 : index
    %get3A_789 = memref.load %arg1[%get3A_787, %get3A_788] : memref<16x5xf32, #tpu.memory_space<smem>>
    %convert_element_type3A_790 = arith.truncf %get3A_789 : f32 to bf16
    %convert_element_type3A_791 = arith.extf %convert_element_type3A_790 : bf16 to f32
    %mul3A_792 = vector.broadcast %convert_element_type3A_791 : f32 to vector<256x2048xf32>
    %mul3A_793 = arith.mulf %convert_element_type3A_30, %mul3A_792 : vector<256x2048xf32>
    %add3A_794 = arith.addf %add3A_786, %mul3A_793 : vector<256x2048xf32>
    %get3A_795 = arith.constant 13 : index
    %get3A_796 = arith.constant 4 : index
    %get3A_797 = memref.load %arg1[%get3A_795, %get3A_796] : memref<16x5xf32, #tpu.memory_space<smem>>
    %convert_element_type3A_798 = arith.truncf %get3A_797 : f32 to bf16
    %convert_element_type3A_799 = arith.extf %convert_element_type3A_798 : bf16 to f32
    %mul3A_800 = vector.broadcast %convert_element_type3A_799 : f32 to vector<256x2048xf32>
    %mul3A_801 = arith.mulf %convert_element_type3A_32, %mul3A_800 : vector<256x2048xf32>
    %add3A_802 = arith.addf %add3A_794, %mul3A_801 : vector<256x2048xf32>
    %max3A_803 = arith.constant 0.000000e+00 : f32
    %max3A_804 = vector.broadcast %max3A_803 : f32 to vector<256x2048xf32>
    %max3A_805 = arith.maximumf %add3A_802, %max3A_804 : vector<256x2048xf32>
    %convert_element_type3A_806 = arith.truncf %max3A_805 : vector<256x2048xf32> to vector<256x2048xbf16>
    %convert_element_type3A_807 = arith.extf %convert_element_type3A_806 : vector<256x2048xbf16> to vector<256x2048xf32>
    %get3A_808 = arith.constant 0 : index
    %get3A_809 = arith.constant 13 : index
    %get3A_810 = memref.load %arg3[%get3A_808, %get3A_809] : memref<1x16xf32, #tpu.memory_space<smem>>
    %convert_element_type3A_811 = arith.truncf %get3A_810 : f32 to bf16
    %convert_element_type3A_812 = arith.extf %convert_element_type3A_811 : bf16 to f32
    %mul3A_813 = vector.broadcast %convert_element_type3A_812 : f32 to vector<256x2048xf32>
    %mul3A_814 = arith.mulf %convert_element_type3A_807, %mul3A_813 : vector<256x2048xf32>
    %add3A_815 = arith.addf %add3A_759, %mul3A_814 : vector<256x2048xf32>
    %get3A_816 = arith.constant 14 : index
    %get3A_817 = memref.load %arg2[%get3A_816] : memref<16xf32, #tpu.memory_space<smem>>
    %get3A_818 = arith.constant 14 : index
    %get3A_819 = arith.constant 0 : index
    %get3A_820 = memref.load %arg1[%get3A_818, %get3A_819] : memref<16x5xf32, #tpu.memory_space<smem>>
    %convert_element_type3A_821 = arith.truncf %get3A_820 : f32 to bf16
    %convert_element_type3A_822 = arith.extf %convert_element_type3A_821 : bf16 to f32
    %mul3A_823 = vector.broadcast %convert_element_type3A_822 : f32 to vector<256x2048xf32>
    %mul3A_824 = arith.mulf %convert_element_type3A_24, %mul3A_823 : vector<256x2048xf32>
    %add3A_825 = vector.broadcast %get3A_817 : f32 to vector<256x2048xf32>
    %add3A_826 = arith.addf %add3A_825, %mul3A_824 : vector<256x2048xf32>
    %get3A_827 = arith.constant 14 : index
    %get3A_828 = arith.constant 1 : index
    %get3A_829 = memref.load %arg1[%get3A_827, %get3A_828] : memref<16x5xf32, #tpu.memory_space<smem>>
    %convert_element_type3A_830 = arith.truncf %get3A_829 : f32 to bf16
    %convert_element_type3A_831 = arith.extf %convert_element_type3A_830 : bf16 to f32
    %mul3A_832 = vector.broadcast %convert_element_type3A_831 : f32 to vector<256x2048xf32>
    %mul3A_833 = arith.mulf %convert_element_type3A_26, %mul3A_832 : vector<256x2048xf32>
    %add3A_834 = arith.addf %add3A_826, %mul3A_833 : vector<256x2048xf32>
    %get3A_835 = arith.constant 14 : index
    %get3A_836 = arith.constant 2 : index
    %get3A_837 = memref.load %arg1[%get3A_835, %get3A_836] : memref<16x5xf32, #tpu.memory_space<smem>>
    %convert_element_type3A_838 = arith.truncf %get3A_837 : f32 to bf16
    %convert_element_type3A_839 = arith.extf %convert_element_type3A_838 : bf16 to f32
    %mul3A_840 = vector.broadcast %convert_element_type3A_839 : f32 to vector<256x2048xf32>
    %mul3A_841 = arith.mulf %convert_element_type3A_28, %mul3A_840 : vector<256x2048xf32>
    %add3A_842 = arith.addf %add3A_834, %mul3A_841 : vector<256x2048xf32>
    %get3A_843 = arith.constant 14 : index
    %get3A_844 = arith.constant 3 : index
    %get3A_845 = memref.load %arg1[%get3A_843, %get3A_844] : memref<16x5xf32, #tpu.memory_space<smem>>
    %convert_element_type3A_846 = arith.truncf %get3A_845 : f32 to bf16
    %convert_element_type3A_847 = arith.extf %convert_element_type3A_846 : bf16 to f32
    %mul3A_848 = vector.broadcast %convert_element_type3A_847 : f32 to vector<256x2048xf32>
    %mul3A_849 = arith.mulf %convert_element_type3A_30, %mul3A_848 : vector<256x2048xf32>
    %add3A_850 = arith.addf %add3A_842, %mul3A_849 : vector<256x2048xf32>
    %get3A_851 = arith.constant 14 : index
    %get3A_852 = arith.constant 4 : index
    %get3A_853 = memref.load %arg1[%get3A_851, %get3A_852] : memref<16x5xf32, #tpu.memory_space<smem>>
    %convert_element_type3A_854 = arith.truncf %get3A_853 : f32 to bf16
    %convert_element_type3A_855 = arith.extf %convert_element_type3A_854 : bf16 to f32
    %mul3A_856 = vector.broadcast %convert_element_type3A_855 : f32 to vector<256x2048xf32>
    %mul3A_857 = arith.mulf %convert_element_type3A_32, %mul3A_856 : vector<256x2048xf32>
    %add3A_858 = arith.addf %add3A_850, %mul3A_857 : vector<256x2048xf32>
    %max3A_859 = arith.constant 0.000000e+00 : f32
    %max3A_860 = vector.broadcast %max3A_859 : f32 to vector<256x2048xf32>
    %max3A_861 = arith.maximumf %add3A_858, %max3A_860 : vector<256x2048xf32>
    %convert_element_type3A_862 = arith.truncf %max3A_861 : vector<256x2048xf32> to vector<256x2048xbf16>
    %convert_element_type3A_863 = arith.extf %convert_element_type3A_862 : vector<256x2048xbf16> to vector<256x2048xf32>
    %get3A_864 = arith.constant 0 : index
    %get3A_865 = arith.constant 14 : index
    %get3A_866 = memref.load %arg3[%get3A_864, %get3A_865] : memref<1x16xf32, #tpu.memory_space<smem>>
    %convert_element_type3A_867 = arith.truncf %get3A_866 : f32 to bf16
    %convert_element_type3A_868 = arith.extf %convert_element_type3A_867 : bf16 to f32
    %mul3A_869 = vector.broadcast %convert_element_type3A_868 : f32 to vector<256x2048xf32>
    %mul3A_870 = arith.mulf %convert_element_type3A_863, %mul3A_869 : vector<256x2048xf32>
    %add3A_871 = arith.addf %add3A_815, %mul3A_870 : vector<256x2048xf32>
    %get3A_872 = arith.constant 15 : index
    %get3A_873 = memref.load %arg2[%get3A_872] : memref<16xf32, #tpu.memory_space<smem>>
    %get3A_874 = arith.constant 15 : index
    %get3A_875 = arith.constant 0 : index
    %get3A_876 = memref.load %arg1[%get3A_874, %get3A_875] : memref<16x5xf32, #tpu.memory_space<smem>>
    %convert_element_type3A_877 = arith.truncf %get3A_876 : f32 to bf16
    %convert_element_type3A_878 = arith.extf %convert_element_type3A_877 : bf16 to f32
    %mul3A_879 = vector.broadcast %convert_element_type3A_878 : f32 to vector<256x2048xf32>
    %mul3A_880 = arith.mulf %convert_element_type3A_24, %mul3A_879 : vector<256x2048xf32>
    %add3A_881 = vector.broadcast %get3A_873 : f32 to vector<256x2048xf32>
    %add3A_882 = arith.addf %add3A_881, %mul3A_880 : vector<256x2048xf32>
    %get3A_883 = arith.constant 15 : index
    %get3A_884 = arith.constant 1 : index
    %get3A_885 = memref.load %arg1[%get3A_883, %get3A_884] : memref<16x5xf32, #tpu.memory_space<smem>>
    %convert_element_type3A_886 = arith.truncf %get3A_885 : f32 to bf16
    %convert_element_type3A_887 = arith.extf %convert_element_type3A_886 : bf16 to f32
    %mul3A_888 = vector.broadcast %convert_element_type3A_887 : f32 to vector<256x2048xf32>
    %mul3A_889 = arith.mulf %convert_element_type3A_26, %mul3A_888 : vector<256x2048xf32>
    %add3A_890 = arith.addf %add3A_882, %mul3A_889 : vector<256x2048xf32>
    %get3A_891 = arith.constant 15 : index
    %get3A_892 = arith.constant 2 : index
    %get3A_893 = memref.load %arg1[%get3A_891, %get3A_892] : memref<16x5xf32, #tpu.memory_space<smem>>
    %convert_element_type3A_894 = arith.truncf %get3A_893 : f32 to bf16
    %convert_element_type3A_895 = arith.extf %convert_element_type3A_894 : bf16 to f32
    %mul3A_896 = vector.broadcast %convert_element_type3A_895 : f32 to vector<256x2048xf32>
    %mul3A_897 = arith.mulf %convert_element_type3A_28, %mul3A_896 : vector<256x2048xf32>
    %add3A_898 = arith.addf %add3A_890, %mul3A_897 : vector<256x2048xf32>
    %get3A_899 = arith.constant 15 : index
    %get3A_900 = arith.constant 3 : index
    %get3A_901 = memref.load %arg1[%get3A_899, %get3A_900] : memref<16x5xf32, #tpu.memory_space<smem>>
    %convert_element_type3A_902 = arith.truncf %get3A_901 : f32 to bf16
    %convert_element_type3A_903 = arith.extf %convert_element_type3A_902 : bf16 to f32
    %mul3A_904 = vector.broadcast %convert_element_type3A_903 : f32 to vector<256x2048xf32>
    %mul3A_905 = arith.mulf %convert_element_type3A_30, %mul3A_904 : vector<256x2048xf32>
    %add3A_906 = arith.addf %add3A_898, %mul3A_905 : vector<256x2048xf32>
    %get3A_907 = arith.constant 15 : index
    %get3A_908 = arith.constant 4 : index
    %get3A_909 = memref.load %arg1[%get3A_907, %get3A_908] : memref<16x5xf32, #tpu.memory_space<smem>>
    %convert_element_type3A_910 = arith.truncf %get3A_909 : f32 to bf16
    %convert_element_type3A_911 = arith.extf %convert_element_type3A_910 : bf16 to f32
    %mul3A_912 = vector.broadcast %convert_element_type3A_911 : f32 to vector<256x2048xf32>
    %mul3A_913 = arith.mulf %convert_element_type3A_32, %mul3A_912 : vector<256x2048xf32>
    %add3A_914 = arith.addf %add3A_906, %mul3A_913 : vector<256x2048xf32>
    %max3A_915 = arith.constant 0.000000e+00 : f32
    %max3A_916 = vector.broadcast %max3A_915 : f32 to vector<256x2048xf32>
    %max3A_917 = arith.maximumf %add3A_914, %max3A_916 : vector<256x2048xf32>
    %convert_element_type3A_918 = arith.truncf %max3A_917 : vector<256x2048xf32> to vector<256x2048xbf16>
    %convert_element_type3A_919 = arith.extf %convert_element_type3A_918 : vector<256x2048xbf16> to vector<256x2048xf32>
    %get3A_920 = arith.constant 0 : index
    %get3A_921 = arith.constant 15 : index
    %get3A_922 = memref.load %arg3[%get3A_920, %get3A_921] : memref<1x16xf32, #tpu.memory_space<smem>>
    %convert_element_type3A_923 = arith.truncf %get3A_922 : f32 to bf16
    %convert_element_type3A_924 = arith.extf %convert_element_type3A_923 : bf16 to f32
    %mul3A_925 = vector.broadcast %convert_element_type3A_924 : f32 to vector<256x2048xf32>
    %mul3A_926 = arith.mulf %convert_element_type3A_919, %mul3A_925 : vector<256x2048xf32>
    %add3A_927 = arith.addf %add3A_871, %mul3A_926 : vector<256x2048xf32>
    %mul3A_928 = arith.mulf %get3A_8, %get3A_3 : vector<256x2048xf32>
    %reduce_sum3A = arith.constant dense<0.000000e+00> : vector<256xf32>
    %reduce_sum3A_929 = vector.multi_reduction <add>, %mul3A_928, %reduce_sum3A [1] : vector<256x2048xf32> to vector<256xf32>
    %broadcast_in_dim3A_930 = vector.shape_cast %reduce_sum3A_929 : vector<256xf32> to vector<256x1xf32>
    %sub3A = vector.broadcast %broadcast_in_dim3A_930 : vector<256x1xf32> to vector<256x2048xf32>
    %sub3A_931 = arith.subf %get3A_18, %sub3A : vector<256x2048xf32>
    %gt3A = arith.cmpf ogt, %get3A_8, %sub3A_931 : vector<256x2048xf32>
    %eq3A = arith.constant 0.000000e+00 : f32
    %eq3A_932 = vector.broadcast %eq3A : f32 to vector<256x2048xf32>
    %eq3A_933 = arith.cmpf oeq, %get3A_3, %eq3A_932 : vector<256x2048xf32>
    %and3A = arith.andi %gt3A, %eq3A_933 : vector<256x2048xi1>
    %jit3A = arith.constant -3.40282347E+38 : f32
    %jit3A_934 = arith.constant 0.000000e+00 : f32
    %broadcast_in_dim3A_935 = vector.broadcast %jit3A : f32 to vector<256x2048xf32>
    %broadcast_in_dim3A_936 = vector.broadcast %jit3A_934 : f32 to vector<256x2048xf32>
    %select_n3A = arith.select %and3A, %broadcast_in_dim3A_935, %broadcast_in_dim3A_936 : vector<256x2048xi1>, vector<256x2048xf32>
    %add3A_937 = arith.addf %add3A_927, %select_n3A : vector<256x2048xf32>
    %reduce_max3A = arith.constant dense<0xFF800000> : vector<256xf32>
    %reduce_max3A_938 = vector.multi_reduction <maximumf>, %add3A_937, %reduce_max3A [1] : vector<256x2048xf32> to vector<256xf32>
    %broadcast_in_dim3A_939 = vector.shape_cast %reduce_max3A_938 : vector<256xf32> to vector<256x1xf32>
    %sub3A_940 = vector.broadcast %broadcast_in_dim3A_939 : vector<256x1xf32> to vector<256x2048xf32>
    %sub3A_941 = arith.subf %add3A_937, %sub3A_940 : vector<256x2048xf32>
    %exp3A = math.exp %sub3A_941 : vector<256x2048xf32>
    %reduce_sum3A_942 = arith.constant dense<0.000000e+00> : vector<256xf32>
    %reduce_sum3A_943 = vector.multi_reduction <add>, %exp3A, %reduce_sum3A_942 [1] : vector<256x2048xf32> to vector<256xf32>
    %argmax3A = tpu.reduce_index %add3A_937 {axis = 1 : i32, kind = #tpu.reduction_kind<arg_max>} : vector<256x2048xf32> -> vector<256xi32>
    %swap3A = arith.constant 0 : index
    %swap3A_944 = vector.load %arg6[%swap3A] : memref<256xi32, #tpu.memory_space<vmem>>, vector<256xi32>
    tpu.vector_store %arg6[%swap3A], %argmax3A {strides = array<i32>} : memref<256xi32, #tpu.memory_space<vmem>>, vector<256xi32>,
    %log3A = math.log %reduce_sum3A_943 : vector<256xf32>
    %neg3A = arith.constant 0.000000e+00 : f32
    %neg3A_945 = vector.broadcast %neg3A : f32 to vector<256xf32>
    %neg3A_946 = arith.subf %neg3A_945, %log3A : vector<256xf32>
    %swap3A_947 = arith.constant 0 : index
    %swap3A_948 = vector.load %arg7[%swap3A_947] : memref<256xf32, #tpu.memory_space<vmem>>, vector<256xf32>
    tpu.vector_store %arg7[%swap3A_947], %neg3A_946 {strides = array<i32>} : memref<256xf32, #tpu.memory_space<vmem>>, vector<256xf32>,
    return
  }
  func.func @transform_0(%arg0: i32) -> (i32, i32) {
    %c0_i32 = arith.constant 0 : i32
    %c0_i32_0 = arith.constant 0 : i32
    %c0_i32_1 = arith.constant 0 : i32
    return %c0_i32, %c0_i32_0 : i32, i32
  }
  func.func @transform_1(%arg0: i32) -> i32 {
    %c0_i32 = arith.constant 0 : i32
    %c0_i32_0 = arith.constant 0 : i32
    return %c0_i32 : i32
  }
  func.func @transform_2(%arg0: i32) -> (i32, i32) {
    %c0_i32 = arith.constant 0 : i32
    %c0_i32_0 = arith.constant 0 : i32
    %c0_i32_1 = arith.constant 0 : i32
    return %c0_i32, %c0_i32_0 : i32, i32
  }
  func.func @transform_3(%arg0: i32) -> i32 {
    %c0_i32 = arith.constant 0 : i32
    %c0_i32_0 = arith.constant 0 : i32
    return %c0_i32 : i32
  }
  func.func @transform_4(%arg0: i32) -> (i32, i32, i32) {
    %c0_i32 = arith.constant 0 : i32
    %c0_i32_0 = arith.constant 0 : i32
    %c0_i32_1 = arith.constant 0 : i32
    return %c0_i32, %arg0, %c0_i32_0 : i32, i32, i32
  }
  func.func @transform_5(%arg0: i32) -> i32 {
    %c0_i32 = arith.constant 0 : i32
    return %arg0 : i32
  }
  func.func @transform_6(%arg0: i32) -> i32 {
    %c0_i32 = arith.constant 0 : i32
    return %arg0 : i32
  }
}

</mosaic_0001>

<sc_bundles>
// kernel: kernel.4.cloned.1.call-start
scs
__scs_entry_jumppad:
0x0: {  	(pc) =	sbr.rel $0x88, $3  }
0x1: {  	(tag) =	ssettag $0x0;
	lr =	simm.s32 $0x1  }
0x2: {  	[smem:$0x3F9C] =	sst lr;
	_ =	strace $0xD0000000  }
0x3: {  	_ = 	snop  }
0x4: {  	_ = 	snop  }
0x5: {  	_ = 	snop  }
0x6: {  	_ = 	snop  }
0x7: {  	_ = 	snop  }
__scs_overlays_trampoline_lowered:
0x8: {  	[smem:$0x3FAB] =	sst s0  }
0x9: {  	[smem:$0x3FAC] =	sst s1  }
0xa: {  	[smem:$0x3FAD] =	sst s2  }
0xb: {  	[smem:$0x3FAE] =	sst s3  }
0xc: {  	[smem:$0x3FAF] =	sst s4  }
0xd: {  	[smem:$0x3FB0] =	sst s5  }
0xe: {  	[smem:$0x3FB1] =	sst s6  }
0xf: {  	[smem:$0x3FB2] =	sst s7  }
0x10: {  	[smem:$0x3FB3] =	sst s8  }
0x11: {  	[smem:$0x3FB4] =	sst s9;
	s0 =	simm.s32 @!p0 $0x0  }
0x12: {  	s1 =	sld [smem:$0x3F9A];
	s0 =	simm.s32 @p0 $0x1  }
0x13: {  	[smem:$0x3FB5] =	sst s0;
	s0 =	simm.s32 @!p1 $0x0  }
0x14: {  	s2 =	sld [smem:$0x3F99];
	s0 =	simm.s32 @p1 $0x1  }
0x15: {  	[smem:$0x3FB6] =	sst s0;
	s0 =	simm.s32 @!p2 $0x0  }
0x16: {  	s3 =	sld [smem:$0x3FDB];
	s0 =	simm.s32 @p2 $0x1  }
0x17: {  	s4 =	simm.s32 $0x1BF5;
	[smem:$0x3FB8] =	sst s0  }
0x18: {  	s0 =	sld [smem:$0x3F9B];
	_ =	swait.ge [sflag:s4], $0x0  }
0x19: {  	s7 =	sld [smem:$0x3F9C]  }
0x1a: {  	s8 =	sadd.s32 $0xFFFFE003, lr  }
0x1b: {  	s9 =	sadd.s32 $0xFFFFFEF7, lr;
	s5 =	simm.s32 $0xFFFFFFFF;
	p2 =	slt.u32 s8, $0xFFFFF086  }
0x1c: {  	p1 =	slt.u32 s9, $0xF7A;
	s5 =	simm.s32 @!p2 $0x0  }
0x1d: {  	s5 =	simm.s32 @p1 $0x1;
	p0 =	seq.s32 s7, s2  }
0x1e: {  	s7 =	smul.u32 @!p0 $0xF7A, s2;
	p2 =	seq.s32 @!p0 s5, $0x0  }
0x1f: {  	s9 =	smul.u32 $0xF7A, s1;
	s8 =	simm.s32 @!p0 $0x1BF5;
	p2 =	por !p2, p0  }
0x20: {  	[sflag:s8] =	ssyncset.s32 @!p0 $0xFFFFF086;
	s6 =	sadd.s32 @!p0 s3, s7;
	s7 =	simm.s32 @!p0 $0x108  }
0x21: {  	s3 =	sadd.s32 s3, s9;
	s6 =	sadd.s32 @!p0 $0x88, s6;
	s7 =	simm.s32 @p2 $0x1082  }
0x22: {  	[simem:s7], [sflag:s8] =	dma.local @!p0 [hbm:s6], $0xF7A  }
0x23: {  	s9 =	sor.u32 $0xD0000000, s2;
	s6 =	simm.s32 $0x108;
	_ =	swait.ge @!p0 [sflag:s8], $0x0  }
0x24: {  	s3 =	sadd.s32 $0x88, s3;
	s6 =	simm.s32 @!p1 $0x1082;
	[sflag:s4] =	ssyncset.s32 $0xFFFFF086  }
0x25: {  	[simem:s6], [sflag:s4] =	dma.local [hbm:s3], $0xF7A  }
0x26: {  	[smem:$0x3F9C] =	sst s1;
	(tag) =	ssettag s2;
	_ =	strace s9  }
0x27: {  	s1 =	sld [smem:$0x3FAC]  }
0x28: {  	s2 =	sld [smem:$0x3FAD]  }
0x29: {  	s4 =	sld [smem:$0x3FAF]  }
0x2a: {  	p0 =	seq.s32 s5, $0x0;
	s5 =	sld [smem:$0x3FB0]  }
0x2b: {  	s6 =	sld [smem:$0x3FB1]  }
0x2c: {  	s7 =	sld [smem:$0x3FB2]  }
0x2d: {  	s3 =	simm.s32 $0x108;
	s8 =	sld [smem:$0x3FB3]  }
0x2e: {  	s3 =	simm.s32 @!p0 $0x1082;
	s9 =	sld [smem:$0x3FB4]  }
0x2f: {  	lr =	sadd.s32 s0, s3;
	s0 =	sld [smem:$0x3FAB]  }
0x30: {  	s3 =	sld [smem:$0x3FAE]  }
0x31: {  	[smem:$0x3FB7] =	sst s10  }
0x32: {  	s10 =	sld [smem:$0x3FB5];
	_ =	sdelay $0x3  }
0x33: {  	p0 =	seq.s32 s10, $0x1;
	s10 =	sld [smem:$0x3FB7];
	_ =	sdelay $0x3  }
0x34: {  	[smem:$0x3FB7] =	sst s10  }
0x35: {  	s10 =	sld [smem:$0x3FB6];
	_ =	sdelay $0x3  }
0x36: {  	p1 =	seq.s32 s10, $0x1;
	s10 =	sld [smem:$0x3FB7];
	_ =	sdelay $0x3  }
0x37: {  	[smem:$0x3FB7] =	sst s10  }
0x38: {  	s10 =	sld [smem:$0x3FB8]  }
0x39: {  	_ = 	snop;
	(pc) =	sbr.ind lr, $3  }
0x3a: {  	_ = 	snop  }
0x3b: {  	_ = 	snop  }
0x3c: {  	p2 =	seq.s32 s10, $0x1;
	s10 =	sld [smem:$0x3FB7]  }
0x3d: {  	_ =	shalt  }
0x3e: {  	_ =	shalt  }
0x3f: {  	_ =	shalt  }
0x40: {  	_ =	shalt  }
0x41: {  	_ =	shalt  }
0x42: {  	_ =	shalt  }
0x43: {  	_ =	shalt  }
0x44: {  	_ =	shalt  }
0x45: {  	_ =	shalt  }
0x46: {  	_ =	shalt  }
0x47: {  	_ =	shalt  }
0x48: {  	_ =	shalt  }
0x49: {  	_ =	shalt  }
0x4a: {  	_ =	shalt  }
0x4b: {  	_ =	shalt  }
0x4c: {  	_ =	shalt  }
0x4d: {  	_ =	shalt  }
0x4e: {  	_ =	shalt  }
0x4f: {  	_ =	shalt  }
0x50: {  	_ =	shalt  }
0x51: {  	_ =	shalt  }
0x52: {  	_ =	shalt  }
0x53: {  	_ =	shalt  }
0x54: {  	_ =	shalt  }
0x55: {  	_ =	shalt  }
0x56: {  	_ =	shalt  }
0x57: {  	_ =	shalt  }
0x58: {  	_ =	shalt  }
0x59: {  	_ =	shalt  }
0x5a: {  	_ =	shalt  }
0x5b: {  	_ =	shalt  }
0x5c: {  	_ =	shalt  }
0x5d: {  	_ =	shalt  }
0x5e: {  	_ =	shalt  }
0x5f: {  	_ =	shalt  }
0x60: {  	_ =	shalt  }
0x61: {  	_ =	shalt  }
0x62: {  	_ =	shalt  }
0x63: {  	_ =	shalt  }
0x64: {  	_ =	shalt  }
0x65: {  	_ =	shalt  }
0x66: {  	_ =	shalt  }
0x67: {  	_ =	shalt  }
0x68: {  	_ =	shalt  }
0x69: {  	_ =	shalt  }
0x6a: {  	_ =	shalt  }
0x6b: {  	_ =	shalt  }
0x6c: {  	_ =	shalt  }
0x6d: {  	_ =	shalt  }
0x6e: {  	_ =	shalt  }
0x6f: {  	_ =	shalt  }
0x70: {  	_ =	shalt  }
0x71: {  	_ =	shalt  }
0x72: {  	_ =	shalt  }
0x73: {  	_ =	shalt  }
0x74: {  	_ =	shalt  }
0x75: {  	_ =	shalt  }
0x76: {  	_ =	shalt  }
0x77: {  	_ =	shalt  }
0x78: {  	_ =	shalt  }
0x79: {  	_ =	shalt  }
0x7a: {  	_ =	shalt  }
0x7b: {  	_ =	shalt  }
0x7c: {  	_ =	shalt  }
0x7d: {  	_ =	shalt  }
0x7e: {  	_ =	shalt  }
0x7f: {  	_ =	shalt  }
0x80: {  	_ =	shalt  }
0x81: {  	_ =	shalt  }
0x82: {  	_ =	shalt  }
0x83: {  	_ =	shalt  }
0x84: {  	_ =	shalt  }
0x85: {  	_ =	shalt  }
0x86: {  	_ =	shalt  }
0x87: {  	_ =	shalt  }
.Lfunc_end0:
.L_simem_size_0:
called_computation_lowered:
.L_overlay_start_0:
0x88: {  	s2 =	sld [smem:$0x3FD9]  }
0x89: {  	s3 =	sld [smem:$0x3FFE];
	_ =	sdelay $0x1  }
0x8a: {  	s1 =	srdreg.scid  }
0x8b: {  	s0 =	sand.u32 $0x1, s1  }
0x8c: {  	s14 =	sshll.u32 s0, $0xA;
	s2 =	sadd.s32 s3, s2  }
0x8d: {  	s2 =	sadd.s32 s2, s14  }
0x8e: {  	[smem:$0x3FC3] =	sst s2  }
0x8f: {  	_ = 	snop  }
0x90: {  	s2 =	sld [smem:$0x3FD0];
	_ =	sdelay $0x2  }
0x91: {  	s15 =	simm.s32 $0xA;
	s4 =	simm.s32 $0x10  }
0x92: {  	[smem:s4], [sflag:s15] =	dma.local [hbm:s2], $0x1  }
0x93: {  	_ =	swait.eq [sflag:s15], $0x1  }
0x94: {  	[sflag:s15] =	ssyncset.done $0x0  }
0x95: {  	[sflag:s15] =	ssyncadd.s32 $0xFFFFFFFF  }
0x96: {  	s16 =	sld [smem:$0x10];
	(tm) =	ssettm $0x1  }
0x97: {  	s17 =	sld [smem:$0x3FFB];
	_ =	sdelay $0x3  }
0x98: {  	_ =	strace s17  }
0x99: {  	s3 =	sld [smem:$0x3FFC];
	_ =	sdelay $0x3  }
0x9a: {  	_ =	strace s3  }
0x9b: {  	s3 =	sld [smem:$0x3FFD];
	_ =	sdelay $0x3  }
0x9c: {  	_ =	strace s3  }
0x9d: {  	_ =	strace $0x8FFFFFFF  }
0x9e: {  	s18 =	sld [smem:$0x3FDB];
	_ =	sdelay $0x1  }
0x9f: {  	s19 =	simm.s32 $_scs_section_size  }
0xa0: {  	s5 =	simm.s32 $_size__tile_overlayer_lowered;
	s6 =	simm.s32 $_tile_overlayer_lowered  }
0xa1: {  	s22 =	simm.s32 $0x1BFF;
	s21 =	sshll.u32 s6, $0x1;
	s3 =	sadd.s32 s19, s18  }
0xa2: {  	s7 =	simm.s32 $0x0;
	s20 =	sshll.u32 s5, $0x1;
	s5 =	sadd.s32 s21, s3  }
0xa3: {  	[timem:s7], [sflag:s22] =	dma.local [hbm:s5], s20  }
0xa4: {  	_ =	swait.ge [sflag:s22], s20  }
0xa5: {  	s4 =	ssub.s32 $0x0, s20;
	[sflag:s22] =	ssyncset.done $0x0  }
0xa6: {  	[sflag:s22] =	ssyncadd.s32 s4;
	_ =	sdelay $0x1  }
0xa7: {  	s23 =	simm.s32 $0x1B8B  }
0xa8: {  	_ =	swait.ge [sflag:s23], $0x1  }
0xa9: {  	[sflag:s23] =	ssyncset.done $0x0  }
0xaa: {  	s25 =	simm.s32 $0x1B8E;
	s24 =	sld [smem:$0x3FFE];
	[sflag:s23] =	ssyncadd.s32 $0xFFFFFFFF  }
0xab: {  	s26 =	simm.s32 $execute0_lowered;
	[smem:$0x3FD2] =	sst s25  }
0xac: {  	s5 =	sshll.u32 s26, $0x1;
	_ =	strace $0x80000046;
	[dreg:$0x1] =	wrdreg $0xFFFFFFFF  }
0xad: {  	s28 =	simm.s32 $_size_execute0_lowered;
	s3 =	sadd.s32 s3, s5;
	[dreg:$0x0] =	wrdreg $0x0  }
0xae: {  	s5 =	sshll.u32 s28, $0x1;
	[dreg:$0x2] =	wrdreg s3  }
0xaf: {  	[dreg:$0x3] =	wrdreg s5  }
0xb0: {  	[dreg:$0x4] =	wrdreg $0xC0  }
0xb1: {  	_ =	task [dreg:s7], $0x5FFFF  }
0xb2: {  	[dreg:$0x1] =	wrdreg $0xFFFFFFFF  }
0xb3: {  	[dreg:$0x0] =	wrdreg $0x60  }
0xb4: {  	[dreg:$0x2] =	wrdreg s24  }
0xb5: {  	[dreg:$0x3] =	wrdreg s16  }
0xb6: {  	[dreg:$0x4] =	wrdreg $0x9  }
0xb7: {  	_ =	task.clear_ibuf [dreg:s7], $0x5FFFF;
	_ =	strace $0x90000046  }
0xb8: {  	s29 =	simm.s32 $0x9;
	_ =	strace $0x80000048  }
0xb9: {  	_ =	swait.ge [sflag:s29], $0x1  }
0xba: {  	[sflag:s29] =	ssyncadd.s32 $0xFFFFFFFF  }
0xbb: {  	_ =	strace $0x90000048  }
0xbc: {  	_ =	sfence  }
0xbd: {  	s30 =	sld [smem:$0x0];
	_ =	sdelay $0x2  }
0xbe: {  	s31 =	sshll.u32 s1, $0xD;
	s1 =	sshrl.u32 s1, $0x2  }
0xbf: {  	s3 =	sand.u32 $0x4000, s31;
	s1 =	sadd.s32 s1, s30  }
0xc0: {  	s0 =	sor.u32 s3, s0;
	s1 =	sshll.u32 s1, $0x11  }
0xc1: {  	s0 =	sor.u32 s1, s0  }
0xc2: {  	s0 =	sadd.s32 $0x8F2B, s0  }
0xc3: {  	[sflag:s0] =	ssyncadd.remote.s32 $0x1  }
0xc4: {  	_ =	sfence.sel $0xFFFF  }
0xc5: {  	[dreg:$0x0] =	wrdreg $0xFFFFFFFF;
	(pc) =	sbr.abs _section_cstart, $3  }
0xc6: {  	[dreg:$0x1] =	wrdreg $0xFFFFFFFF  }
0xc7: {  	_ =	task.clear_ibuf [dreg:s7], $0x2FFFF;
	_ =	strace $0x9FFFFFFF  }
0xc8: {  	(tm) =	ssettm $0x7FFFFFFF  }
0xc9: {  	_ =	shalt  }
tec
execute0_lowered:
.L_overlay_start_1:
0x0: {  	(tag) =	ssettag $0x1  }
0x1: {  	s3 =	rddreg [dreg:$0x0]  }
0x2: {  	s4 =	rddreg [dreg:$0x1]  }
0x3: {  	s0 =	rddreg [dreg:$0x2]  }
0x4: {  	s2 =	simm.s32 $0x0;
	s5 =	srdreg.scid;
	s1 =	stileid.u32  }
0x5: {  	s13 =	simm.s32 $0x1;
	s14 =	simm.s32 $0x80;
	s15 =	simm.s32 $0x0  }
0x6: {  	[smem:$0x7FF] =	sst s2;
	s5 =	sand.u32 $0x1, s5;
	s6 =	sshll.u32 s1, $0x1  }
0x7: {  	_ =	strace $0x80000047;
	s6 =	sor.u32 s5, s6;
	s5 =	ssub.s32 $0x2, s5  }
0x8: {  	s7 =	sshll.u32 s6, $0x4;
	s8 =	sshrl.u32 s5, $0x1;
	s6 =	sshll.u32 s6, $0xF  }
0x9: {  	s7 =	sadd.s32 s7, s3;
	s12 =	ssub.s32 s5, s8;
	s3 =	sadd.s32 s4, s6  }
0xa: {  	s4 =	sadd.s32 $0xC00, s7;
	s5 =	sadd.s32 $0x1000, s3;
	s6 =	sadd.s32 $0x2000, s3  }
0xb: {  	v1 =	vlaneseq.u32;
	s7 =	sadd.s32 $0x3000, s3;
	s8 =	sadd.s32 $0x4000, s3;
	s9 =	sadd.s32 $0x5000, s3  }
0xc: {  	v0 =	vimm.s32 $0x0;
	v2 =	vimm.s32 $0x1;
	v1 =	vmul.u32 $0x800, v1;
	s10 =	sadd.s32 $0x6000, s3;
	s11 =	sadd.s32 $0x7000, s3;
	s12 =	smax.u32 s12, $0x1  }
.LBB2_1:
0xd: {  	[tilespmem:s2], [sflag:$0x1] =	stream.linear.gather [hbm4b:s4+s2], $0x80, $0x38;
	[tilespmem:$0x8080] =	vst v63  }
0xe: {  	_ =	swait.ge [sflag:s13], $0x80  }
0xf: {  	[sflag:s13] =	ssyncset.done $0x0  }
0x10: {  	s16 =	simm.s32 $0x40;
	s17 =	simm.s32 $0x0;
	[sflag:s13] =	ssyncadd.s32 $0xFFFFFF80  }
.LBB2_2:
0x11: {  	p0 =	sne.s32 s16, $0x1FFC0;
	[tilespmem:s17+$0x80] =	vst v0;
	s17 =	smov.u32 s16;
	s16 =	sadd.s32 $0x40, s16  }
.Ltmp0:
0x12: {  	(pc) =	sbr.rel @p0 .LBB2_2-.Ltmp0, $2  }
0x13: {  	_ =	sdelay $0x2  }
0x14: {  	s17 =	sshra.s32 s17, $0x2  }
0x15: {  	[tilespmem:s17+$0x80] =	vst v0  }
0x16: {  	v3 =	vld [tilespmem:$0x0];
	_ =	sdelay $0x4  }
0x17: {  	v3 =	vadd.s32 v1, v3;
	_ =	sdelay $0x4  }
0x18: {  	[tilespmem:v3+s14+$0x0] =	vst.idx.msk $0xffff, v2  }
0x19: {  	[hbm4b:s3+s2] =	stream.linear.scatter [tilespmem:s14], [sflag:$0x1], $0x8000, $0x38;
	[tilespmem:$0x8080] =	vst v63  }
0x1a: {  	_ =	swait.ge [sflag:s13], $0x8000  }
0x1b: {  	[sflag:s13] =	ssyncset.done $0x0  }
0x1c: {  	[sflag:s13] =	ssyncadd.s32 $0xFFFF8000  }
0x1d: {  	[tilespmem:v3+s14+$0x0] =	vst.idx.msk $0xffff, v0  }
0x1e: {  	v3 =	vld [tilespmem:$0x10];
	_ =	sdelay $0x4  }
0x1f: {  	v3 =	vadd.s32 v1, v3;
	_ =	sdelay $0x4  }
0x20: {  	[tilespmem:v3+s14+$0x0] =	vst.idx.msk $0xffff, v2  }
0x21: {  	[hbm4b:s5+s2] =	stream.linear.scatter [tilespmem:s14], [sflag:$0x1], $0x8000, $0x38;
	[tilespmem:$0x8080] =	vst v63  }
0x22: {  	_ =	swait.ge [sflag:s13], $0x8000  }
0x23: {  	[sflag:s13] =	ssyncset.done $0x0  }
0x24: {  	[sflag:s13] =	ssyncadd.s32 $0xFFFF8000  }
0x25: {  	[tilespmem:v3+s14+$0x0] =	vst.idx.msk $0xffff, v0  }
0x26: {  	v3 =	vld [tilespmem:$0x20];
	_ =	sdelay $0x4  }
0x27: {  	v3 =	vadd.s32 v1, v3;
	_ =	sdelay $0x4  }
0x28: {  	[tilespmem:v3+s14+$0x0] =	vst.idx.msk $0xffff, v2  }
0x29: {  	[hbm4b:s6+s2] =	stream.linear.scatter [tilespmem:s14], [sflag:$0x1], $0x8000, $0x38;
	[tilespmem:$0x8080] =	vst v63  }
0x2a: {  	_ =	swait.ge [sflag:s13], $0x8000  }
0x2b: {  	[sflag:s13] =	ssyncset.done $0x0  }
0x2c: {  	[sflag:s13] =	ssyncadd.s32 $0xFFFF8000  }
0x2d: {  	[tilespmem:v3+s14+$0x0] =	vst.idx.msk $0xffff, v0  }
0x2e: {  	v3 =	vld [tilespmem:$0x30];
	_ =	sdelay $0x4  }
0x2f: {  	v3 =	vadd.s32 v1, v3;
	_ =	sdelay $0x4  }
0x30: {  	[tilespmem:v3+s14+$0x0] =	vst.idx.msk $0xffff, v2  }
0x31: {  	[hbm4b:s7+s2] =	stream.linear.scatter [tilespmem:s14], [sflag:$0x1], $0x8000, $0x38;
	[tilespmem:$0x8080] =	vst v63  }
0x32: {  	_ =	swait.ge [sflag:s13], $0x8000  }
0x33: {  	[sflag:s13] =	ssyncset.done $0x0  }
0x34: {  	[sflag:s13] =	ssyncadd.s32 $0xFFFF8000  }
0x35: {  	[tilespmem:v3+s14+$0x0] =	vst.idx.msk $0xffff, v0  }
0x36: {  	v3 =	vld [tilespmem:$0x40];
	_ =	sdelay $0x4  }
0x37: {  	v3 =	vadd.s32 v1, v3;
	_ =	sdelay $0x4  }
0x38: {  	[tilespmem:v3+s14+$0x0] =	vst.idx.msk $0xffff, v2  }
0x39: {  	[hbm4b:s8+s2] =	stream.linear.scatter [tilespmem:s14], [sflag:$0x1], $0x8000, $0x38;
	[tilespmem:$0x8080] =	vst v63  }
0x3a: {  	_ =	swait.ge [sflag:s13], $0x8000  }
0x3b: {  	[sflag:s13] =	ssyncset.done $0x0  }
0x3c: {  	[sflag:s13] =	ssyncadd.s32 $0xFFFF8000  }
0x3d: {  	[tilespmem:v3+s14+$0x0] =	vst.idx.msk $0xffff, v0  }
0x3e: {  	v3 =	vld [tilespmem:$0x50];
	_ =	sdelay $0x4  }
0x3f: {  	v3 =	vadd.s32 v1, v3;
	_ =	sdelay $0x4  }
0x40: {  	[tilespmem:v3+s14+$0x0] =	vst.idx.msk $0xffff, v2  }
0x41: {  	[hbm4b:s9+s2] =	stream.linear.scatter [tilespmem:s14], [sflag:$0x1], $0x8000, $0x38;
	[tilespmem:$0x8080] =	vst v63  }
0x42: {  	_ =	swait.ge [sflag:s13], $0x8000  }
0x43: {  	[sflag:s13] =	ssyncset.done $0x0  }
0x44: {  	[sflag:s13] =	ssyncadd.s32 $0xFFFF8000  }
0x45: {  	[tilespmem:v3+s14+$0x0] =	vst.idx.msk $0xffff, v0  }
0x46: {  	v3 =	vld [tilespmem:$0x60];
	_ =	sdelay $0x4  }
0x47: {  	v3 =	vadd.s32 v1, v3;
	_ =	sdelay $0x4  }
0x48: {  	[tilespmem:v3+s14+$0x0] =	vst.idx.msk $0xffff, v2  }
0x49: {  	[hbm4b:s10+s2] =	stream.linear.scatter [tilespmem:s14], [sflag:$0x1], $0x8000, $0x38;
	[tilespmem:$0x8080] =	vst v63  }
0x4a: {  	_ =	swait.ge [sflag:s13], $0x8000  }
0x4b: {  	[sflag:s13] =	ssyncset.done $0x0  }
0x4c: {  	[sflag:s13] =	ssyncadd.s32 $0xFFFF8000  }
0x4d: {  	[tilespmem:v3+s14+$0x0] =	vst.idx.msk $0xffff, v0  }
0x4e: {  	v3 =	vld [tilespmem:$0x70];
	_ =	sdelay $0x4  }
0x4f: {  	v3 =	vadd.s32 v1, v3;
	_ =	sdelay $0x3  }
0x50: {  	s15 =	sadd.s32 $0x1, s15  }
0x51: {  	p0 =	sne.s32 s15, s12;
	[tilespmem:v3+s14+$0x0] =	vst.idx.msk $0xffff, v2  }
0x52: {  	[hbm4b:s11+s2] =	stream.linear.scatter [tilespmem:s14], [sflag:$0x1], $0x8000, $0x38;
	[tilespmem:$0x8080] =	vst v63  }
.Ltmp1:
0x53: {  	_ = 	snop;
	(pc) =	sbr.rel @p0 .LBB2_1-.Ltmp1, $4  }
0x54: {  	_ =	swait.ge [sflag:s13], $0x8000  }
0x55: {  	[sflag:s13] =	ssyncset.done $0x0  }
0x56: {  	[sflag:s13] =	ssyncadd.s32 $0xFFFF8000  }
0x57: {  	[tilespmem:v3+s14+$0x0] =	vst.idx.msk $0xffff, v0  }
0x58: {  	_ =	sfence.sel $0x180000  }
0x59: {  	[bflag:$0x0] =	sbarrier.arrive $0xFFFF  }
0x5a: {  	p0 =	sne.s32 s1, $0x0;
	_ =	strace $0x90000047  }
0x5b: {  	s0 =	sadd.s32 @!p0 $0x100000, s0;
	[bflag:$0x2] =	sbarrier.arrive $0xFFFF  }
0x5c: {  	[sflag:s0] =	ssyncadd.tile.s32 @!p0 $0x1;
	_ =	shalt  }
.Lfunc_end2:
_tile_overlayer_lowered:
.L_overlay_start_2:
0x5d: {  	(tag) =	ssettag $0x2  }
0x5e: {  	s0 =	rddreg [dreg:$0x0];
	s2 =	stileid.u32  }
0x5f: {  	s1 =	rddreg [dreg:$0x1];
	p0 =	sne.s32 s2, $0x0  }
0x60: {  	s3 =	rddreg [dreg:$0x2];
	[bflag:$0x3] =	sbarrier.arrive $0xFFFF;
	s2 =	simm.s32 @!p0 $0x1C01  }
0x61: {  	[timem:s3], [sflag:s2] =	dma.local @!p0 [hbm:s0], s1  }
0x62: {  	s0 =	simm.s32 @!p0 $0x1  }
0x63: {  	_ =	swait.ge @!p0 [sflag:s0], s1  }
0x64: {  	s1 =	ssub.s32 @!p0 $0x0, s1;
	[sflag:s0] =	ssyncset.done @!p0 $0x0  }
0x65: {  	[sflag:s0] =	ssyncadd.s32 @!p0 s1  }
0x66: {  	[bflag:$0x3] =	sbarrier.arrive $0xFFFF  }
0x67: {  	_ =	shalt  }

</sc_bundles>
